<compile_context>
chip_gen: v7x
topology: tpu7x:2x2x1
jax: 0.10.2.dev20260603
libtpu: 0.0.44.dev20260713+nightly
codegen_flags: <defaults>
</compile_context>

<pallas_src>
import functools

import jax
import jax.numpy as jnp
from jax import lax
from jax.experimental import pallas as pl
from jax.experimental.pallas import tpu as pltpu
from jax.experimental.pallas import tpu_sc as plsc

N_ROWS = 262144
D = 64
N_IDX = 1048576

NC = 2
NS = 16
L = 16

HALF = N_ROWS // NC
P = 8
CHR = HALF // P
MYR = CHR // NS
SEG = N_IDX // NS
SB = 2048
NBLK = SEG // SB
B = 128
JUNK = SB + 144
CAP = SB + 160


def _body(dst_h, src_h, i0_h, i1_h, w_h, out_h,
          i0_blk, i1_blk, w_blk, i0c, i1c, wc, i0_dma, i1_dma, rows, acc):
  c = lax.axis_index("c")
  s = lax.axis_index("s")
  seg0 = s * SEG

  def do_pass(p, carry):
    base = c * HALF + p * CHR
    r0 = s * MYR
    pltpu.sync_copy(dst_h.at[pl.ds(base + r0, MYR)], acc.at[pl.ds(r0, MYR)])
    plsc.subcore_barrier()

    def do_block(blk, carry2):
      o = seg0 + blk * SB
      pltpu.sync_copy(i1_h.at[pl.ds(o, SB)], i1_blk)
      pltpu.sync_copy(i0_h.at[pl.ds(o, SB)], i0_blk)
      pltpu.sync_copy(w_h.at[pl.ds(o, SB)], w_blk)

      lanes = lax.iota(jnp.int32, L)

      def scan_it(i, off):
        v1 = i1_blk[pl.ds(i * L, L)]
        loc = v1 - base
        m = (loc >= 0) & (loc < CHR)
        mi = m.astype(jnp.int32)
        cs = plsc.cumsum(mi)
        pos = jnp.where(m, off + cs - 1, JUNK + lanes)
        plsc.store_scatter(i1c, [pos], loc)
        plsc.store_scatter(i0c, [pos], i0_blk[pl.ds(i * L, L)])
        plsc.store_scatter(wc, [pos], w_blk[pl.ds(i * L, L)])
        return off + plsc.all_reduce_population_count(m)

      off_v = lax.fori_loop(0, SB // L, scan_it, jnp.zeros((L,), jnp.int32))
      off = jnp.max(off_v)

      zi = jnp.zeros((L,), jnp.int32)
      zf = jnp.zeros((L,), jnp.float32)
      for t in range(9):
        pos = off_v + (t * L) + lanes
        plsc.store_scatter(i1c, [pos], zi)
        plsc.store_scatter(i0c, [pos], zi)
        plsc.store_scatter(wc, [pos], zf)

      nb = (off + B - 1) // B

      def fire(b, carry3):
        for t in range(B // L):
          i0_dma[pl.ds(t * L, L)] = i0c[pl.ds(b * B + t * L, L)]
          i1_dma[pl.ds(t * L, L)] = i1c[pl.ds(b * B + t * L, L)]
        pltpu.sync_copy(src_h.at[i0_dma], rows)

        def mrow(j, carry4):
          ws = plsc.load_gather(wc, [jnp.full((L,), b * B + j, jnp.int32)])
          for k in range(D // L):
            rows[j, pl.ds(k * L, L)] = rows[j, pl.ds(k * L, L)] * ws
          return carry4

        lax.fori_loop(0, B, mrow, 0)
        pltpu.sync_copy(rows, acc.at[i1_dma], add=True)
        return carry3

      lax.fori_loop(0, nb, fire, 0)
      return carry2

    lax.fori_loop(0, NBLK, do_block, 0)

    plsc.subcore_barrier()
    pltpu.sync_copy(acc.at[pl.ds(r0, MYR)], out_h.at[pl.ds(base + r0, MYR)])
    return carry

  lax.fori_loop(0, P, do_pass, 0)


@functools.partial(
    pl.kernel,
    out_type=jax.ShapeDtypeStruct((N_ROWS, D), jnp.float32),
    mesh=plsc.VectorSubcoreMesh(
        core_axis_name="c", subcore_axis_name="s",
        num_cores=NC, num_subcores=NS),
    compiler_params=pltpu.CompilerParams(
        use_tc_tiling_on_sc=False, needs_layout_passes=False),
    scratch_types=[
        pltpu.VMEM((SB,), jnp.int32),
        pltpu.VMEM((SB,), jnp.int32),
        pltpu.VMEM((SB,), jnp.float32),
        pltpu.VMEM((CAP,), jnp.int32),
        pltpu.VMEM((CAP,), jnp.int32),
        pltpu.VMEM((CAP,), jnp.float32),
        pltpu.VMEM((B,), jnp.int32),
        pltpu.VMEM((B,), jnp.int32),
        pltpu.VMEM((B, D), jnp.float32),
        pltpu.VMEM_SHARED((CHR, D), jnp.float32),
    ],
)
def _indexed_add(dst_h, src_h, i0_h, i1_h, w_h, out_h, *scratch):
  _body(dst_h, src_h, i0_h, i1_h, w_h, out_h, *scratch)


def kernel(dst, src, index0, index1, weight):
  return _indexed_add(dst, src, index0.astype(jnp.int32),
                      index1.astype(jnp.int32), weight.reshape(-1))

# --- scband reference (transcript-rebuilt; emitter-appended) ---
"""Pipeline reference for scband-indexed-add-72679436583586 (READ-ONLY COPY).

The authoritative reference and input builder live on the scoring server;
editing this copy changes nothing except your own understanding.
"""

import jax, jax.numpy as jnp
import numpy as np

N_ROWS = 262144
D = 64
N_IDX = 1048576


def setup_inputs(seed: int = 0) -> dict:
    key = jax.random.key(seed)
    k1, k2, k3, k4 = jax.random.split(key, 4)
    dst = jax.random.normal(k1, (N_ROWS, D), dtype=jnp.float32)
    src = jax.random.normal(k2, (N_ROWS, D), dtype=jnp.float32)
    # module buffer: index[0] = source row ids, index[1] = destination row ids
    index0 = jax.random.randint(k3, (N_IDX,), 0, N_ROWS, dtype=jnp.int32)
    index1 = jax.random.randint(k4, (N_IDX,), 0, N_ROWS, dtype=jnp.int32)
    # learned weight, shape (n_indices, 1) from weight_shape=(-1, 1); initialized to ones like torch
    weight = jnp.ones((N_IDX, 1), dtype=jnp.float32)
    return {"dst": dst, "src": src, "index0": index0, "index1": index1, "weight": weight}


def reference(dst, src, index0, index1, weight):
    # src.index_select(dim=0, index[0])
    gathered = jnp.take(src, index0, axis=0)
    # src.mul_(weight) -- broadcast multiply by per-index weight
    gathered = gathered * weight
    # dst.index_add(dim=0, index[1], src) (out-of-place since inplace=False)
    return dst.at[index1].add(gathered)

if __name__ == "__main__":
    import jax
    _d = setup_inputs()
    print(jax.jit(kernel)(*tuple(_d.values())))

</pallas_src>

<mosaic_0001>
#map = affine_map<(d0, d1) -> (0, 0)>
#map1 = affine_map<(d0, d1) -> (0)>
module attributes {stable_mosaic.version = 14 : i64} {
  func.func @_indexed_add(%arg0: i32, %arg1: i32, %arg2: memref<262144x64xf32, #tpu.memory_space<hbm>>, %arg3: memref<262144x64xf32, #tpu.memory_space<hbm>>, %arg4: memref<1048576xi32, #tpu.memory_space<hbm>>, %arg5: memref<1048576xi32, #tpu.memory_space<hbm>>, %arg6: memref<1048576xf32, #tpu.memory_space<hbm>>, %arg7: memref<262144x64xf32, #tpu.memory_space<hbm>>, %arg8: memref<2048xi32, #tpu.memory_space<vmem>>, %arg9: memref<2048xi32, #tpu.memory_space<vmem>>, %arg10: memref<2048xf32, #tpu.memory_space<vmem>>, %arg11: memref<2208xi32, #tpu.memory_space<vmem>>, %arg12: memref<2208xi32, #tpu.memory_space<vmem>>, %arg13: memref<2208xf32, #tpu.memory_space<vmem>>, %arg14: memref<128xi32, #tpu.memory_space<vmem>>, %arg15: memref<128xi32, #tpu.memory_space<vmem>>, %arg16: memref<128x64xf32, #tpu.memory_space<vmem>>, %arg17: memref<16384x64xf32, #tpu.memory_space<vmem_shared>>) attributes {dimension_semantics = [#tpu.dimension_semantics<core_parallel>, #tpu.dimension_semantics<subcore_parallel>], iteration_bounds = array<i64: 2, 16>, scalar_prefetch = 0 : i64, scratch_operands = 10 : i64, tpu.core_type = #tpu.core_type<sc_vector_subcore>, window_params = [{transform_indices = #map}, {transform_indices = #map}, {transform_indices = #map1}, {transform_indices = #map1}, {transform_indices = #map1}, {transform_indices = #map}]} {
    %mul3A = arith.constant 65536 : i32
    %mul3A_0 = arith.muli %arg1, %mul3A : i32
    %scan3A = arith.constant 0 : i32
    %scan3A_1 = arith.constant 0 : i32
    %scan3A_2 = arith.constant 8 : i32
    %scan3A_3 = arith.addi %scan3A_1, %scan3A_2 : i32
    %scan3A_4 = arith.constant 1 : i32
    scf.for %scan3A_6 = %scan3A_1 to %scan3A_3 step %scan3A_4  : i32 {
      %mul3A_7 = arith.constant 131072 : i32
      %mul3A_8 = arith.muli %arg0, %mul3A_7 : i32
      %mul3A_9 = arith.constant 16384 : i32
      %mul3A_10 = arith.muli %scan3A_6, %mul3A_9 : i32
      %add3A = arith.addi %mul3A_8, %mul3A_10 : i32
      %mul3A_11 = arith.constant 1024 : i32
      %mul3A_12 = arith.muli %arg1, %mul3A_11 : i32
      %add3A_13 = arith.addi %add3A, %mul3A_12 : i32
      "tpu.region"() ({
        %run_scoped3A = tpu.sem_alloc : memref<!tpu.dma_semaphore, #tpu.memory_space<semaphore_mem>>
        %dma_start3A = arith.constant 0 : i32
        %dma_start3A_22 = tpu.memref_slice %arg17[%mul3A_12, %dma_start3A] : memref<16384x64xf32, #tpu.memory_space<vmem_shared>> -> memref<1024x64xf32, #tpu.memory_space<vmem_shared>>
        %dma_start3A_23 = arith.constant 0 : i32
        %dma_start3A_24 = tpu.memref_slice %arg2[%add3A_13, %dma_start3A_23] : memref<262144x64xf32, #tpu.memory_space<hbm>> -> memref<1024x64xf32, #tpu.memory_space<hbm>>
        tpu.enqueue_dma source(%dma_start3A_24 : memref<1024x64xf32, #tpu.memory_space<hbm>>) target(%dma_start3A_22 : memref<1024x64xf32, #tpu.memory_space<vmem_shared>>) target_semaphore(%run_scoped3A : memref<!tpu.dma_semaphore, #tpu.memory_space<semaphore_mem>>)
        %dma_wait3A = arith.constant 0 : i32
        %dma_wait3A_25 = tpu.memref_slice %arg17[%mul3A_12, %dma_wait3A] : memref<16384x64xf32, #tpu.memory_space<vmem_shared>> -> memref<1024x64xf32, #tpu.memory_space<vmem_shared>>
        %dma_wait3A_26 = arith.constant 0 : i32
        %dma_wait3A_27 = tpu.memref_slice %arg2[%add3A_13, %dma_wait3A_26] : memref<262144x64xf32, #tpu.memory_space<hbm>> -> memref<1024x64xf32, #tpu.memory_space<hbm>>
        tpu.wait_dma2 semaphore(%run_scoped3A : memref<!tpu.dma_semaphore, #tpu.memory_space<semaphore_mem>>) src(%dma_wait3A_27 : memref<1024x64xf32, #tpu.memory_space<hbm>>) dst(%dma_wait3A_25 : memref<1024x64xf32, #tpu.memory_space<vmem_shared>>)
        tpu.yield
      }) : () -> ()
      %barrier3A = arith.constant 0 : index
      tpu.barrier barrier_id(%barrier3A)
      %scan3A_14 = arith.constant 0 : i32
      %scan3A_15 = arith.constant 0 : i32
      %scan3A_16 = arith.constant 32 : i32
      %scan3A_17 = arith.addi %scan3A_15, %scan3A_16 : i32
      %scan3A_18 = arith.constant 1 : i32
      scf.for %scan3A_22 = %scan3A_15 to %scan3A_17 step %scan3A_18  : i32 {
        %mul3A_23 = arith.constant 2048 : i32
        %mul3A_24 = arith.muli %scan3A_22, %mul3A_23 : i32
        %add3A_25 = arith.addi %mul3A_0, %mul3A_24 : i32
        "tpu.region"() ({
          %run_scoped3A = tpu.sem_alloc : memref<!tpu.dma_semaphore, #tpu.memory_space<semaphore_mem>>
          %dma_start3A = tpu.memref_slice %arg5[%add3A_25] : memref<1048576xi32, #tpu.memory_space<hbm>> -> memref<2048xi32, #tpu.memory_space<hbm>>
          %dma_start3A_109 = tpu.memref_slice %arg5[%add3A_25] : memref<1048576xi32, #tpu.memory_space<hbm>> -> memref<2048xi32, #tpu.memory_space<hbm>>
          tpu.enqueue_dma source(%dma_start3A_109 : memref<2048xi32, #tpu.memory_space<hbm>>) target(%arg9 : memref<2048xi32, #tpu.memory_space<vmem>>) target_semaphore(%run_scoped3A : memref<!tpu.dma_semaphore, #tpu.memory_space<semaphore_mem>>)
          %dma_wait3A = tpu.memref_slice %arg5[%add3A_25] : memref<1048576xi32, #tpu.memory_space<hbm>> -> memref<2048xi32, #tpu.memory_space<hbm>>
          %dma_wait3A_110 = tpu.memref_slice %arg5[%add3A_25] : memref<1048576xi32, #tpu.memory_space<hbm>> -> memref<2048xi32, #tpu.memory_space<hbm>>
          tpu.wait_dma2 semaphore(%run_scoped3A : memref<!tpu.dma_semaphore, #tpu.memory_space<semaphore_mem>>) src(%dma_wait3A_110 : memref<2048xi32, #tpu.memory_space<hbm>>) dst(%arg9 : memref<2048xi32, #tpu.memory_space<vmem>>)
          tpu.yield
        }) : () -> ()
        "tpu.region"() ({
          %run_scoped3A = tpu.sem_alloc : memref<!tpu.dma_semaphore, #tpu.memory_space<semaphore_mem>>
          %dma_start3A = tpu.memref_slice %arg4[%add3A_25] : memref<1048576xi32, #tpu.memory_space<hbm>> -> memref<2048xi32, #tpu.memory_space<hbm>>
          %dma_start3A_109 = tpu.memref_slice %arg4[%add3A_25] : memref<1048576xi32, #tpu.memory_space<hbm>> -> memref<2048xi32, #tpu.memory_space<hbm>>
          tpu.enqueue_dma source(%dma_start3A_109 : memref<2048xi32, #tpu.memory_space<hbm>>) target(%arg8 : memref<2048xi32, #tpu.memory_space<vmem>>) target_semaphore(%run_scoped3A : memref<!tpu.dma_semaphore, #tpu.memory_space<semaphore_mem>>)
          %dma_wait3A = tpu.memref_slice %arg4[%add3A_25] : memref<1048576xi32, #tpu.memory_space<hbm>> -> memref<2048xi32, #tpu.memory_space<hbm>>
          %dma_wait3A_110 = tpu.memref_slice %arg4[%add3A_25] : memref<1048576xi32, #tpu.memory_space<hbm>> -> memref<2048xi32, #tpu.memory_space<hbm>>
          tpu.wait_dma2 semaphore(%run_scoped3A : memref<!tpu.dma_semaphore, #tpu.memory_space<semaphore_mem>>) src(%dma_wait3A_110 : memref<2048xi32, #tpu.memory_space<hbm>>) dst(%arg8 : memref<2048xi32, #tpu.memory_space<vmem>>)
          tpu.yield
        }) : () -> ()
        "tpu.region"() ({
          %run_scoped3A = tpu.sem_alloc : memref<!tpu.dma_semaphore, #tpu.memory_space<semaphore_mem>>
          %dma_start3A = tpu.memref_slice %arg6[%add3A_25] : memref<1048576xf32, #tpu.memory_space<hbm>> -> memref<2048xf32, #tpu.memory_space<hbm>>
          %dma_start3A_109 = tpu.memref_slice %arg6[%add3A_25] : memref<1048576xf32, #tpu.memory_space<hbm>> -> memref<2048xf32, #tpu.memory_space<hbm>>
          tpu.enqueue_dma source(%dma_start3A_109 : memref<2048xf32, #tpu.memory_space<hbm>>) target(%arg10 : memref<2048xf32, #tpu.memory_space<vmem>>) target_semaphore(%run_scoped3A : memref<!tpu.dma_semaphore, #tpu.memory_space<semaphore_mem>>)
          %dma_wait3A = tpu.memref_slice %arg6[%add3A_25] : memref<1048576xf32, #tpu.memory_space<hbm>> -> memref<2048xf32, #tpu.memory_space<hbm>>
          %dma_wait3A_110 = tpu.memref_slice %arg6[%add3A_25] : memref<1048576xf32, #tpu.memory_space<hbm>> -> memref<2048xf32, #tpu.memory_space<hbm>>
          tpu.wait_dma2 semaphore(%run_scoped3A : memref<!tpu.dma_semaphore, #tpu.memory_space<semaphore_mem>>) src(%dma_wait3A_110 : memref<2048xf32, #tpu.memory_space<hbm>>) dst(%arg10 : memref<2048xf32, #tpu.memory_space<vmem>>)
          tpu.yield
        }) : () -> ()
        %iota3A = tpu.iota {dimensions = array<i32: 0>} : vector<16xi32>
        %broadcast_in_dim3A = arith.constant 0 : i32
        %broadcast_in_dim3A_26 = vector.broadcast %broadcast_in_dim3A : i32 to vector<16xi32>
        %scan3A_27 = arith.constant 0 : i32
        %scan3A_28 = arith.constant 128 : i32
        %scan3A_29 = arith.addi %scan3A_27, %scan3A_28 : i32
        %scan3A_30 = arith.constant 1 : i32
        %scan3A_31 = scf.for %scan3A_109 = %scan3A_27 to %scan3A_29 step %scan3A_30 iter_args(%scan3A_110 = %broadcast_in_dim3A_26) -> (vector<16xi32>)  : i32 {
          %mul3A_111 = arith.constant 16 : i32
          %mul3A_112 = arith.muli %scan3A_109, %mul3A_111 : i32
          %get3A = arith.index_cast %mul3A_112 : i32 to index
          %get3A_113 = tpu.vector_load %arg9[%get3A] {strides = array<i32>} : memref<2048xi32, #tpu.memory_space<vmem>>, vector<16xi32>,
          %sub3A_114 = vector.broadcast %add3A : i32 to vector<16xi32>
          %sub3A_115 = arith.subi %get3A_113, %sub3A_114 : vector<16xi32>
          %ge3A = arith.constant 0 : i32
          %ge3A_116 = vector.broadcast %ge3A : i32 to vector<16xi32>
          %ge3A_117 = arith.cmpi sge, %sub3A_115, %ge3A_116 : vector<16xi32>
          %lt3A = arith.constant 16384 : i32
          %lt3A_118 = vector.broadcast %lt3A : i32 to vector<16xi32>
          %lt3A_119 = arith.cmpi slt, %sub3A_115, %lt3A_118 : vector<16xi32>
          %and3A_120 = arith.andi %ge3A_117, %lt3A_119 : vector<16xi1>
          %convert_element_type3A = arith.extui %and3A_120 : vector<16xi1> to vector<16xi32>
          %broadcast_in_dim3A_121 = arith.constant true
          %broadcast_in_dim3A_122 = vector.broadcast %broadcast_in_dim3A_121 : i1 to vector<16xi1>
          %masked_cumsum3A = tpu.scan <sum>, %convert_element_type3A masked %broadcast_in_dim3A_122 : vector<16xi32>, vector<16xi1> -> vector<16xi32>
          %add3A_123 = arith.addi %scan3A_110, %masked_cumsum3A : vector<16xi32>
          %sub3A_124 = arith.constant 1 : i32
          %sub3A_125 = vector.broadcast %sub3A_124 : i32 to vector<16xi32>
          %sub3A_126 = arith.subi %add3A_123, %sub3A_125 : vector<16xi32>
          %add3A_127 = arith.constant 2192 : i32
          %add3A_128 = vector.broadcast %add3A_127 : i32 to vector<16xi32>
          %add3A_129 = arith.addi %add3A_128, %iota3A : vector<16xi32>
          %select_n3A_130 = arith.select %and3A_120, %sub3A_126, %add3A_129 : vector<16xi1>, vector<16xi32>
          tpu.vector_store_idx %arg12[%select_n3A_130], %sub3A_115 : memref<2208xi32, #tpu.memory_space<vmem>>[vector<16xi32>], vector<16xi32>,
          %mul3A_131 = arith.constant 16 : i32
          %mul3A_132 = arith.muli %scan3A_109, %mul3A_131 : i32
          %get3A_133 = arith.index_cast %mul3A_132 : i32 to index
          %get3A_134 = tpu.vector_load %arg8[%get3A_133] {strides = array<i32>} : memref<2048xi32, #tpu.memory_space<vmem>>, vector<16xi32>,
          tpu.vector_store_idx %arg11[%select_n3A_130], %get3A_134 : memref<2208xi32, #tpu.memory_space<vmem>>[vector<16xi32>], vector<16xi32>,
          %mul3A_135 = arith.constant 16 : i32
          %mul3A_136 = arith.muli %scan3A_109, %mul3A_135 : i32
          %get3A_137 = arith.index_cast %mul3A_136 : i32 to index
          %get3A_138 = tpu.vector_load %arg10[%get3A_137] {strides = array<i32>} : memref<2048xf32, #tpu.memory_space<vmem>>, vector<16xf32>,
          tpu.vector_store_idx %arg13[%select_n3A_130], %get3A_138 : memref<2208xf32, #tpu.memory_space<vmem>>[vector<16xi32>], vector<16xf32>,
          %all_reduce_population_count3A = tpu.all_reduce %and3A_120 {dim = 0 : i64, kind = #tpu.reduction_kind<sum>} : vector<16xi1> -> vector<16xi32>
          %add3A_139 = arith.addi %scan3A_110, %all_reduce_population_count3A : vector<16xi32>
          scf.yield %add3A_139 : vector<16xi32>
        }
        %scan3A_32 = arith.constant 128 : i32
        %reduce_max3A = arith.constant true
        %reduce_max3A_33 = vector.broadcast %reduce_max3A : i1 to vector<16xi1>
        %reduce_max3A_34 = arith.constant -2147483648 : i32
        %reduce_max3A_35 = vector.broadcast %reduce_max3A_34 : i32 to vector<16xi32>
        %reduce_max3A_36 = arith.xori %scan3A_31, %reduce_max3A_35 : vector<16xi32>
        %reduce_max3A_37 = tpu.scan <max>, %reduce_max3A_36 masked %reduce_max3A_33 : vector<16xi32>, vector<16xi1> -> vector<16xi32>
        %reduce_max3A_38 = arith.xori %reduce_max3A_37, %reduce_max3A_35 : vector<16xi32>
        %reduce_max3A_39 = vector.extract %reduce_max3A_38[15] : i32 from vector<16xi32>
        %broadcast_in_dim3A_40 = arith.constant 0 : i32
        %broadcast_in_dim3A_41 = vector.broadcast %broadcast_in_dim3A_40 : i32 to vector<16xi32>
        %broadcast_in_dim3A_42 = arith.constant 0.000000e+00 : f32
        %broadcast_in_dim3A_43 = vector.broadcast %broadcast_in_dim3A_42 : f32 to vector<16xf32>
        %add3A_44 = arith.constant 0 : i32
        %add3A_45 = vector.broadcast %add3A_44 : i32 to vector<16xi32>
        %add3A_46 = arith.addi %scan3A_31, %add3A_45 : vector<16xi32>
        %add3A_47 = arith.addi %add3A_46, %iota3A : vector<16xi32>
        tpu.vector_store_idx %arg12[%add3A_47], %broadcast_in_dim3A_41 : memref<2208xi32, #tpu.memory_space<vmem>>[vector<16xi32>], vector<16xi32>,
        tpu.vector_store_idx %arg11[%add3A_47], %broadcast_in_dim3A_41 : memref<2208xi32, #tpu.memory_space<vmem>>[vector<16xi32>], vector<16xi32>,
        tpu.vector_store_idx %arg13[%add3A_47], %broadcast_in_dim3A_43 : memref<2208xf32, #tpu.memory_space<vmem>>[vector<16xi32>], vector<16xf32>,
        %add3A_48 = arith.constant 16 : i32
        %add3A_49 = vector.broadcast %add3A_48 : i32 to vector<16xi32>
        %add3A_50 = arith.addi %scan3A_31, %add3A_49 : vector<16xi32>
        %add3A_51 = arith.addi %add3A_50, %iota3A : vector<16xi32>
        tpu.vector_store_idx %arg12[%add3A_51], %broadcast_in_dim3A_41 : memref<2208xi32, #tpu.memory_space<vmem>>[vector<16xi32>], vector<16xi32>,
        tpu.vector_store_idx %arg11[%add3A_51], %broadcast_in_dim3A_41 : memref<2208xi32, #tpu.memory_space<vmem>>[vector<16xi32>], vector<16xi32>,
        tpu.vector_store_idx %arg13[%add3A_51], %broadcast_in_dim3A_43 : memref<2208xf32, #tpu.memory_space<vmem>>[vector<16xi32>], vector<16xf32>,
        %add3A_52 = arith.constant 32 : i32
        %add3A_53 = vector.broadcast %add3A_52 : i32 to vector<16xi32>
        %add3A_54 = arith.addi %scan3A_31, %add3A_53 : vector<16xi32>
        %add3A_55 = arith.addi %add3A_54, %iota3A : vector<16xi32>
        tpu.vector_store_idx %arg12[%add3A_55], %broadcast_in_dim3A_41 : memref<2208xi32, #tpu.memory_space<vmem>>[vector<16xi32>], vector<16xi32>,
        tpu.vector_store_idx %arg11[%add3A_55], %broadcast_in_dim3A_41 : memref<2208xi32, #tpu.memory_space<vmem>>[vector<16xi32>], vector<16xi32>,
        tpu.vector_store_idx %arg13[%add3A_55], %broadcast_in_dim3A_43 : memref<2208xf32, #tpu.memory_space<vmem>>[vector<16xi32>], vector<16xf32>,
        %add3A_56 = arith.constant 48 : i32
        %add3A_57 = vector.broadcast %add3A_56 : i32 to vector<16xi32>
        %add3A_58 = arith.addi %scan3A_31, %add3A_57 : vector<16xi32>
        %add3A_59 = arith.addi %add3A_58, %iota3A : vector<16xi32>
        tpu.vector_store_idx %arg12[%add3A_59], %broadcast_in_dim3A_41 : memref<2208xi32, #tpu.memory_space<vmem>>[vector<16xi32>], vector<16xi32>,
        tpu.vector_store_idx %arg11[%add3A_59], %broadcast_in_dim3A_41 : memref<2208xi32, #tpu.memory_space<vmem>>[vector<16xi32>], vector<16xi32>,
        tpu.vector_store_idx %arg13[%add3A_59], %broadcast_in_dim3A_43 : memref<2208xf32, #tpu.memory_space<vmem>>[vector<16xi32>], vector<16xf32>,
        %add3A_60 = arith.constant 64 : i32
        %add3A_61 = vector.broadcast %add3A_60 : i32 to vector<16xi32>
        %add3A_62 = arith.addi %scan3A_31, %add3A_61 : vector<16xi32>
        %add3A_63 = arith.addi %add3A_62, %iota3A : vector<16xi32>
        tpu.vector_store_idx %arg12[%add3A_63], %broadcast_in_dim3A_41 : memref<2208xi32, #tpu.memory_space<vmem>>[vector<16xi32>], vector<16xi32>,
        tpu.vector_store_idx %arg11[%add3A_63], %broadcast_in_dim3A_41 : memref<2208xi32, #tpu.memory_space<vmem>>[vector<16xi32>], vector<16xi32>,
        tpu.vector_store_idx %arg13[%add3A_63], %broadcast_in_dim3A_43 : memref<2208xf32, #tpu.memory_space<vmem>>[vector<16xi32>], vector<16xf32>,
        %add3A_64 = arith.constant 80 : i32
        %add3A_65 = vector.broadcast %add3A_64 : i32 to vector<16xi32>
        %add3A_66 = arith.addi %scan3A_31, %add3A_65 : vector<16xi32>
        %add3A_67 = arith.addi %add3A_66, %iota3A : vector<16xi32>
        tpu.vector_store_idx %arg12[%add3A_67], %broadcast_in_dim3A_41 : memref<2208xi32, #tpu.memory_space<vmem>>[vector<16xi32>], vector<16xi32>,
        tpu.vector_store_idx %arg11[%add3A_67], %broadcast_in_dim3A_41 : memref<2208xi32, #tpu.memory_space<vmem>>[vector<16xi32>], vector<16xi32>,
        tpu.vector_store_idx %arg13[%add3A_67], %broadcast_in_dim3A_43 : memref<2208xf32, #tpu.memory_space<vmem>>[vector<16xi32>], vector<16xf32>,
        %add3A_68 = arith.constant 96 : i32
        %add3A_69 = vector.broadcast %add3A_68 : i32 to vector<16xi32>
        %add3A_70 = arith.addi %scan3A_31, %add3A_69 : vector<16xi32>
        %add3A_71 = arith.addi %add3A_70, %iota3A : vector<16xi32>
        tpu.vector_store_idx %arg12[%add3A_71], %broadcast_in_dim3A_41 : memref<2208xi32, #tpu.memory_space<vmem>>[vector<16xi32>], vector<16xi32>,
        tpu.vector_store_idx %arg11[%add3A_71], %broadcast_in_dim3A_41 : memref<2208xi32, #tpu.memory_space<vmem>>[vector<16xi32>], vector<16xi32>,
        tpu.vector_store_idx %arg13[%add3A_71], %broadcast_in_dim3A_43 : memref<2208xf32, #tpu.memory_space<vmem>>[vector<16xi32>], vector<16xf32>,
        %add3A_72 = arith.constant 112 : i32
        %add3A_73 = vector.broadcast %add3A_72 : i32 to vector<16xi32>
        %add3A_74 = arith.addi %scan3A_31, %add3A_73 : vector<16xi32>
        %add3A_75 = arith.addi %add3A_74, %iota3A : vector<16xi32>
        tpu.vector_store_idx %arg12[%add3A_75], %broadcast_in_dim3A_41 : memref<2208xi32, #tpu.memory_space<vmem>>[vector<16xi32>], vector<16xi32>,
        tpu.vector_store_idx %arg11[%add3A_75], %broadcast_in_dim3A_41 : memref<2208xi32, #tpu.memory_space<vmem>>[vector<16xi32>], vector<16xi32>,
        tpu.vector_store_idx %arg13[%add3A_75], %broadcast_in_dim3A_43 : memref<2208xf32, #tpu.memory_space<vmem>>[vector<16xi32>], vector<16xf32>,
        %add3A_76 = arith.constant 128 : i32
        %add3A_77 = vector.broadcast %add3A_76 : i32 to vector<16xi32>
        %add3A_78 = arith.addi %scan3A_31, %add3A_77 : vector<16xi32>
        %add3A_79 = arith.addi %add3A_78, %iota3A : vector<16xi32>
        tpu.vector_store_idx %arg12[%add3A_79], %broadcast_in_dim3A_41 : memref<2208xi32, #tpu.memory_space<vmem>>[vector<16xi32>], vector<16xi32>,
        tpu.vector_store_idx %arg11[%add3A_79], %broadcast_in_dim3A_41 : memref<2208xi32, #tpu.memory_space<vmem>>[vector<16xi32>], vector<16xi32>,
        tpu.vector_store_idx %arg13[%add3A_79], %broadcast_in_dim3A_43 : memref<2208xf32, #tpu.memory_space<vmem>>[vector<16xi32>], vector<16xf32>,
        %add3A_80 = arith.constant 128 : i32
        %add3A_81 = arith.addi %reduce_max3A_39, %add3A_80 : i32
        %sub3A = arith.constant 1 : i32
        %sub3A_82 = arith.subi %add3A_81, %sub3A : i32
        %jit3A = arith.constant 128 : i32
        %div3A = arith.divsi %sub3A_82, %jit3A : i32
        %sign3A = arith.constant 0 : i32
        %sign3A_83 = arith.cmpi sgt, %sub3A_82, %sign3A : i32
        %sign3A_84 = arith.extui %sign3A_83 : i1 to i32
        %sign3A_85 = arith.constant 0 : i32
        %sign3A_86 = arith.cmpi slt, %sub3A_82, %sign3A_85 : i32
        %sign3A_87 = arith.extui %sign3A_86 : i1 to i32
        %sign3A_88 = arith.subi %sign3A_84, %sign3A_87 : i32
        %sign3A_89 = arith.constant 0 : i32
        %sign3A_90 = arith.cmpi sgt, %jit3A, %sign3A_89 : i32
        %sign3A_91 = arith.extui %sign3A_90 : i1 to i32
        %sign3A_92 = arith.constant 0 : i32
        %sign3A_93 = arith.cmpi slt, %jit3A, %sign3A_92 : i32
        %sign3A_94 = arith.extui %sign3A_93 : i1 to i32
        %sign3A_95 = arith.subi %sign3A_91, %sign3A_94 : i32
        %ne3A = arith.cmpi ne, %sign3A_88, %sign3A_95 : i32
        %rem3A = arith.remsi %sub3A_82, %jit3A : i32
        %ne3A_96 = arith.constant 0 : i32
        %ne3A_97 = arith.cmpi ne, %rem3A, %ne3A_96 : i32
        %and3A = arith.andi %ne3A, %ne3A_97 : i1
        %sub3A_98 = arith.constant 1 : i32
        %sub3A_99 = arith.subi %div3A, %sub3A_98 : i32
        %select_n3A = arith.select %and3A, %sub3A_99, %div3A : i32
        %while3A = arith.constant 0 : i32
        %while3A_100 = arith.constant 0 : i32
        %while3A_101 = arith.subi %select_n3A, %while3A_100 : i32
        %while3A_102 = arith.addi %while3A_100, %while3A_101 : i32
        %while3A_103 = arith.constant 1 : i32
        %while3A_104 = arith.divsi %while3A_101, %while3A_103 : i32
        %while3A_105 = arith.muli %while3A_104, %while3A_103 : i32
        %while3A_106 = arith.addi %while3A_100, %while3A_105 : i32
        %while3A_107 = arith.constant 1 : i32
        scf.for %while3A_109 = %while3A_100 to %while3A_106 step %while3A_107  : i32 {
          %mul3A_110 = arith.constant 128 : i32
          %mul3A_111 = arith.muli %while3A_109, %mul3A_110 : i32
          %add3A_112 = arith.constant 0 : i32
          %add3A_113 = arith.addi %mul3A_111, %add3A_112 : i32
          %get3A = arith.index_cast %add3A_113 : i32 to index
          %get3A_114 = tpu.vector_load %arg11[%get3A] {strides = array<i32>} : memref<2208xi32, #tpu.memory_space<vmem>>, vector<16xi32>,
          %swap3A = arith.constant 0 : index
          %swap3A_115 = tpu.vector_load %arg14[%swap3A] {strides = array<i32>} : memref<128xi32, #tpu.memory_space<vmem>>, vector<16xi32>,
          tpu.vector_store %arg14[%swap3A], %get3A_114 {strides = array<i32>} : memref<128xi32, #tpu.memory_space<vmem>>, vector<16xi32>,
          %mul3A_116 = arith.constant 128 : i32
          %mul3A_117 = arith.muli %while3A_109, %mul3A_116 : i32
          %add3A_118 = arith.constant 0 : i32
          %add3A_119 = arith.addi %mul3A_117, %add3A_118 : i32
          %get3A_120 = arith.index_cast %add3A_119 : i32 to index
          %get3A_121 = tpu.vector_load %arg12[%get3A_120] {strides = array<i32>} : memref<2208xi32, #tpu.memory_space<vmem>>, vector<16xi32>,
          %swap3A_122 = arith.constant 0 : index
          %swap3A_123 = tpu.vector_load %arg15[%swap3A_122] {strides = array<i32>} : memref<128xi32, #tpu.memory_space<vmem>>, vector<16xi32>,
          tpu.vector_store %arg15[%swap3A_122], %get3A_121 {strides = array<i32>} : memref<128xi32, #tpu.memory_space<vmem>>, vector<16xi32>,
          %mul3A_124 = arith.constant 128 : i32
          %mul3A_125 = arith.muli %while3A_109, %mul3A_124 : i32
          %add3A_126 = arith.constant 16 : i32
          %add3A_127 = arith.addi %mul3A_125, %add3A_126 : i32
          %get3A_128 = arith.index_cast %add3A_127 : i32 to index
          %get3A_129 = tpu.vector_load %arg11[%get3A_128] {strides = array<i32>} : memref<2208xi32, #tpu.memory_space<vmem>>, vector<16xi32>,
          %swap3A_130 = arith.constant 16 : index
          %swap3A_131 = tpu.vector_load %arg14[%swap3A_130] {strides = array<i32>} : memref<128xi32, #tpu.memory_space<vmem>>, vector<16xi32>,
          tpu.vector_store %arg14[%swap3A_130], %get3A_129 {strides = array<i32>} : memref<128xi32, #tpu.memory_space<vmem>>, vector<16xi32>,
          %mul3A_132 = arith.constant 128 : i32
          %mul3A_133 = arith.muli %while3A_109, %mul3A_132 : i32
          %add3A_134 = arith.constant 16 : i32
          %add3A_135 = arith.addi %mul3A_133, %add3A_134 : i32
          %get3A_136 = arith.index_cast %add3A_135 : i32 to index
          %get3A_137 = tpu.vector_load %arg12[%get3A_136] {strides = array<i32>} : memref<2208xi32, #tpu.memory_space<vmem>>, vector<16xi32>,
          %swap3A_138 = arith.constant 16 : index
          %swap3A_139 = tpu.vector_load %arg15[%swap3A_138] {strides = array<i32>} : memref<128xi32, #tpu.memory_space<vmem>>, vector<16xi32>,
          tpu.vector_store %arg15[%swap3A_138], %get3A_137 {strides = array<i32>} : memref<128xi32, #tpu.memory_space<vmem>>, vector<16xi32>,
          %mul3A_140 = arith.constant 128 : i32
          %mul3A_141 = arith.muli %while3A_109, %mul3A_140 : i32
          %add3A_142 = arith.constant 32 : i32
          %add3A_143 = arith.addi %mul3A_141, %add3A_142 : i32
          %get3A_144 = arith.index_cast %add3A_143 : i32 to index
          %get3A_145 = tpu.vector_load %arg11[%get3A_144] {strides = array<i32>} : memref<2208xi32, #tpu.memory_space<vmem>>, vector<16xi32>,
          %swap3A_146 = arith.constant 32 : index
          %swap3A_147 = tpu.vector_load %arg14[%swap3A_146] {strides = array<i32>} : memref<128xi32, #tpu.memory_space<vmem>>, vector<16xi32>,
          tpu.vector_store %arg14[%swap3A_146], %get3A_145 {strides = array<i32>} : memref<128xi32, #tpu.memory_space<vmem>>, vector<16xi32>,
          %mul3A_148 = arith.constant 128 : i32
          %mul3A_149 = arith.muli %while3A_109, %mul3A_148 : i32
          %add3A_150 = arith.constant 32 : i32
          %add3A_151 = arith.addi %mul3A_149, %add3A_150 : i32
          %get3A_152 = arith.index_cast %add3A_151 : i32 to index
          %get3A_153 = tpu.vector_load %arg12[%get3A_152] {strides = array<i32>} : memref<2208xi32, #tpu.memory_space<vmem>>, vector<16xi32>,
          %swap3A_154 = arith.constant 32 : index
          %swap3A_155 = tpu.vector_load %arg15[%swap3A_154] {strides = array<i32>} : memref<128xi32, #tpu.memory_space<vmem>>, vector<16xi32>,
          tpu.vector_store %arg15[%swap3A_154], %get3A_153 {strides = array<i32>} : memref<128xi32, #tpu.memory_space<vmem>>, vector<16xi32>,
          %mul3A_156 = arith.constant 128 : i32
          %mul3A_157 = arith.muli %while3A_109, %mul3A_156 : i32
          %add3A_158 = arith.constant 48 : i32
          %add3A_159 = arith.addi %mul3A_157, %add3A_158 : i32
          %get3A_160 = arith.index_cast %add3A_159 : i32 to index
          %get3A_161 = tpu.vector_load %arg11[%get3A_160] {strides = array<i32>} : memref<2208xi32, #tpu.memory_space<vmem>>, vector<16xi32>,
          %swap3A_162 = arith.constant 48 : index
          %swap3A_163 = tpu.vector_load %arg14[%swap3A_162] {strides = array<i32>} : memref<128xi32, #tpu.memory_space<vmem>>, vector<16xi32>,
          tpu.vector_store %arg14[%swap3A_162], %get3A_161 {strides = array<i32>} : memref<128xi32, #tpu.memory_space<vmem>>, vector<16xi32>,
          %mul3A_164 = arith.constant 128 : i32
          %mul3A_165 = arith.muli %while3A_109, %mul3A_164 : i32
          %add3A_166 = arith.constant 48 : i32
          %add3A_167 = arith.addi %mul3A_165, %add3A_166 : i32
          %get3A_168 = arith.index_cast %add3A_167 : i32 to index
          %get3A_169 = tpu.vector_load %arg12[%get3A_168] {strides = array<i32>} : memref<2208xi32, #tpu.memory_space<vmem>>, vector<16xi32>,
          %swap3A_170 = arith.constant 48 : index
          %swap3A_171 = tpu.vector_load %arg15[%swap3A_170] {strides = array<i32>} : memref<128xi32, #tpu.memory_space<vmem>>, vector<16xi32>,
          tpu.vector_store %arg15[%swap3A_170], %get3A_169 {strides = array<i32>} : memref<128xi32, #tpu.memory_space<vmem>>, vector<16xi32>,
          %mul3A_172 = arith.constant 128 : i32
          %mul3A_173 = arith.muli %while3A_109, %mul3A_172 : i32
          %add3A_174 = arith.constant 64 : i32
          %add3A_175 = arith.addi %mul3A_173, %add3A_174 : i32
          %get3A_176 = arith.index_cast %add3A_175 : i32 to index
          %get3A_177 = tpu.vector_load %arg11[%get3A_176] {strides = array<i32>} : memref<2208xi32, #tpu.memory_space<vmem>>, vector<16xi32>,
          %swap3A_178 = arith.constant 64 : index
          %swap3A_179 = tpu.vector_load %arg14[%swap3A_178] {strides = array<i32>} : memref<128xi32, #tpu.memory_space<vmem>>, vector<16xi32>,
          tpu.vector_store %arg14[%swap3A_178], %get3A_177 {strides = array<i32>} : memref<128xi32, #tpu.memory_space<vmem>>, vector<16xi32>,
          %mul3A_180 = arith.constant 128 : i32
          %mul3A_181 = arith.muli %while3A_109, %mul3A_180 : i32
          %add3A_182 = arith.constant 64 : i32
          %add3A_183 = arith.addi %mul3A_181, %add3A_182 : i32
          %get3A_184 = arith.index_cast %add3A_183 : i32 to index
          %get3A_185 = tpu.vector_load %arg12[%get3A_184] {strides = array<i32>} : memref<2208xi32, #tpu.memory_space<vmem>>, vector<16xi32>,
          %swap3A_186 = arith.constant 64 : index
          %swap3A_187 = tpu.vector_load %arg15[%swap3A_186] {strides = array<i32>} : memref<128xi32, #tpu.memory_space<vmem>>, vector<16xi32>,
          tpu.vector_store %arg15[%swap3A_186], %get3A_185 {strides = array<i32>} : memref<128xi32, #tpu.memory_space<vmem>>, vector<16xi32>,
          %mul3A_188 = arith.constant 128 : i32
          %mul3A_189 = arith.muli %while3A_109, %mul3A_188 : i32
          %add3A_190 = arith.constant 80 : i32
          %add3A_191 = arith.addi %mul3A_189, %add3A_190 : i32
          %get3A_192 = arith.index_cast %add3A_191 : i32 to index
          %get3A_193 = tpu.vector_load %arg11[%get3A_192] {strides = array<i32>} : memref<2208xi32, #tpu.memory_space<vmem>>, vector<16xi32>,
          %swap3A_194 = arith.constant 80 : index
          %swap3A_195 = tpu.vector_load %arg14[%swap3A_194] {strides = array<i32>} : memref<128xi32, #tpu.memory_space<vmem>>, vector<16xi32>,
          tpu.vector_store %arg14[%swap3A_194], %get3A_193 {strides = array<i32>} : memref<128xi32, #tpu.memory_space<vmem>>, vector<16xi32>,
          %mul3A_196 = arith.constant 128 : i32
          %mul3A_197 = arith.muli %while3A_109, %mul3A_196 : i32
          %add3A_198 = arith.constant 80 : i32
          %add3A_199 = arith.addi %mul3A_197, %add3A_198 : i32
          %get3A_200 = arith.index_cast %add3A_199 : i32 to index
          %get3A_201 = tpu.vector_load %arg12[%get3A_200] {strides = array<i32>} : memref<2208xi32, #tpu.memory_space<vmem>>, vector<16xi32>,
          %swap3A_202 = arith.constant 80 : index
          %swap3A_203 = tpu.vector_load %arg15[%swap3A_202] {strides = array<i32>} : memref<128xi32, #tpu.memory_space<vmem>>, vector<16xi32>,
          tpu.vector_store %arg15[%swap3A_202], %get3A_201 {strides = array<i32>} : memref<128xi32, #tpu.memory_space<vmem>>, vector<16xi32>,
          %mul3A_204 = arith.constant 128 : i32
          %mul3A_205 = arith.muli %while3A_109, %mul3A_204 : i32
          %add3A_206 = arith.constant 96 : i32
          %add3A_207 = arith.addi %mul3A_205, %add3A_206 : i32
          %get3A_208 = arith.index_cast %add3A_207 : i32 to index
          %get3A_209 = tpu.vector_load %arg11[%get3A_208] {strides = array<i32>} : memref<2208xi32, #tpu.memory_space<vmem>>, vector<16xi32>,
          %swap3A_210 = arith.constant 96 : index
          %swap3A_211 = tpu.vector_load %arg14[%swap3A_210] {strides = array<i32>} : memref<128xi32, #tpu.memory_space<vmem>>, vector<16xi32>,
          tpu.vector_store %arg14[%swap3A_210], %get3A_209 {strides = array<i32>} : memref<128xi32, #tpu.memory_space<vmem>>, vector<16xi32>,
          %mul3A_212 = arith.constant 128 : i32
          %mul3A_213 = arith.muli %while3A_109, %mul3A_212 : i32
          %add3A_214 = arith.constant 96 : i32
          %add3A_215 = arith.addi %mul3A_213, %add3A_214 : i32
          %get3A_216 = arith.index_cast %add3A_215 : i32 to index
          %get3A_217 = tpu.vector_load %arg12[%get3A_216] {strides = array<i32>} : memref<2208xi32, #tpu.memory_space<vmem>>, vector<16xi32>,
          %swap3A_218 = arith.constant 96 : index
          %swap3A_219 = tpu.vector_load %arg15[%swap3A_218] {strides = array<i32>} : memref<128xi32, #tpu.memory_space<vmem>>, vector<16xi32>,
          tpu.vector_store %arg15[%swap3A_218], %get3A_217 {strides = array<i32>} : memref<128xi32, #tpu.memory_space<vmem>>, vector<16xi32>,
          %mul3A_220 = arith.constant 128 : i32
          %mul3A_221 = arith.muli %while3A_109, %mul3A_220 : i32
          %add3A_222 = arith.constant 112 : i32
          %add3A_223 = arith.addi %mul3A_221, %add3A_222 : i32
          %get3A_224 = arith.index_cast %add3A_223 : i32 to index
          %get3A_225 = tpu.vector_load %arg11[%get3A_224] {strides = array<i32>} : memref<2208xi32, #tpu.memory_space<vmem>>, vector<16xi32>,
          %swap3A_226 = arith.constant 112 : index
          %swap3A_227 = tpu.vector_load %arg14[%swap3A_226] {strides = array<i32>} : memref<128xi32, #tpu.memory_space<vmem>>, vector<16xi32>,
          tpu.vector_store %arg14[%swap3A_226], %get3A_225 {strides = array<i32>} : memref<128xi32, #tpu.memory_space<vmem>>, vector<16xi32>,
          %mul3A_228 = arith.constant 128 : i32
          %mul3A_229 = arith.muli %while3A_109, %mul3A_228 : i32
          %add3A_230 = arith.constant 112 : i32
          %add3A_231 = arith.addi %mul3A_229, %add3A_230 : i32
          %get3A_232 = arith.index_cast %add3A_231 : i32 to index
          %get3A_233 = tpu.vector_load %arg12[%get3A_232] {strides = array<i32>} : memref<2208xi32, #tpu.memory_space<vmem>>, vector<16xi32>,
          %swap3A_234 = arith.constant 112 : index
          %swap3A_235 = tpu.vector_load %arg15[%swap3A_234] {strides = array<i32>} : memref<128xi32, #tpu.memory_space<vmem>>, vector<16xi32>,
          tpu.vector_store %arg15[%swap3A_234], %get3A_233 {strides = array<i32>} : memref<128xi32, #tpu.memory_space<vmem>>, vector<16xi32>,
          "tpu.region"() ({
            %run_scoped3A = tpu.sem_alloc : memref<!tpu.dma_semaphore, #tpu.memory_space<semaphore_mem>>
            %dma_start3A = arith.constant 0 : i32
            %dma_start3A_242 = arith.constant 0 : i32
            %dma_start3A_243 = tpu.memref_slice %arg3[%dma_start3A, %dma_start3A_242] : memref<262144x64xf32, #tpu.memory_space<hbm>> -> memref<262144x64xf32, #tpu.memory_space<hbm>>
            tpu.enqueue_indirect_dma source(%dma_start3A_243 : memref<262144x64xf32, #tpu.memory_space<hbm>>) target(%arg16 : memref<128x64xf32, #tpu.memory_space<vmem>>) offsets(%arg14 : memref<128xi32, #tpu.memory_space<vmem>>) semaphore(%run_scoped3A : memref<!tpu.dma_semaphore, #tpu.memory_space<semaphore_mem>>)
            %dma_wait3A = arith.constant 0 : i32
            %dma_wait3A_244 = arith.constant 0 : i32
            %dma_wait3A_245 = tpu.memref_slice %arg3[%dma_wait3A, %dma_wait3A_244] : memref<262144x64xf32, #tpu.memory_space<hbm>> -> memref<262144x64xf32, #tpu.memory_space<hbm>>
            tpu.wait_indirect_dma semaphore(%run_scoped3A : memref<!tpu.dma_semaphore, #tpu.memory_space<semaphore_mem>>) src(%dma_wait3A_245 : memref<262144x64xf32, #tpu.memory_space<hbm>>) dst(%arg16 : memref<128x64xf32, #tpu.memory_space<vmem>>)
            tpu.yield
          }) : () -> ()
          %scan3A_236 = arith.constant 0 : i32
          %scan3A_237 = arith.constant 0 : i32
          %scan3A_238 = arith.constant 128 : i32
          %scan3A_239 = arith.addi %scan3A_237, %scan3A_238 : i32
          %scan3A_240 = arith.constant 1 : i32
          scf.for %scan3A_242 = %scan3A_237 to %scan3A_239 step %scan3A_240  : i32 {
            %mul3A_243 = arith.constant 128 : i32
            %mul3A_244 = arith.muli %while3A_109, %mul3A_243 : i32
            %add3A_245 = arith.addi %mul3A_244, %scan3A_242 : i32
            %broadcast_in_dim3A_246 = vector.broadcast %add3A_245 : i32 to vector<16xi32>
            %gather3A = tpu.vector_load_idx %arg13[%broadcast_in_dim3A_246] : memref<2208xf32, #tpu.memory_space<vmem>>[vector<16xi32>], vector<16xf32>,
            %get3A_247 = arith.index_cast %scan3A_242 : i32 to index
            %get3A_248 = arith.constant 0 : index
            %get3A_249 = tpu.vector_load %arg16[%get3A_247, %get3A_248] {strides = array<i32>} : memref<128x64xf32, #tpu.memory_space<vmem>>, vector<16xf32>,
            %mul3A_250 = arith.mulf %get3A_249, %gather3A : vector<16xf32>
            %swap3A_251 = arith.index_cast %scan3A_242 : i32 to index
            %swap3A_252 = arith.constant 0 : index
            %swap3A_253 = tpu.vector_load %arg16[%swap3A_251, %swap3A_252] {strides = array<i32>} : memref<128x64xf32, #tpu.memory_space<vmem>>, vector<16xf32>,
            tpu.vector_store %arg16[%swap3A_251, %swap3A_252], %mul3A_250 {strides = array<i32>} : memref<128x64xf32, #tpu.memory_space<vmem>>, vector<16xf32>,
            %get3A_254 = arith.index_cast %scan3A_242 : i32 to index
            %get3A_255 = arith.constant 16 : index
            %get3A_256 = tpu.vector_load %arg16[%get3A_254, %get3A_255] {strides = array<i32>} : memref<128x64xf32, #tpu.memory_space<vmem>>, vector<16xf32>,
            %mul3A_257 = arith.mulf %get3A_256, %gather3A : vector<16xf32>
            %swap3A_258 = arith.index_cast %scan3A_242 : i32 to index
            %swap3A_259 = arith.constant 16 : index
            %swap3A_260 = tpu.vector_load %arg16[%swap3A_258, %swap3A_259] {strides = array<i32>} : memref<128x64xf32, #tpu.memory_space<vmem>>, vector<16xf32>,
            tpu.vector_store %arg16[%swap3A_258, %swap3A_259], %mul3A_257 {strides = array<i32>} : memref<128x64xf32, #tpu.memory_space<vmem>>, vector<16xf32>,
            %get3A_261 = arith.index_cast %scan3A_242 : i32 to index
            %get3A_262 = arith.constant 32 : index
            %get3A_263 = tpu.vector_load %arg16[%get3A_261, %get3A_262] {strides = array<i32>} : memref<128x64xf32, #tpu.memory_space<vmem>>, vector<16xf32>,
            %mul3A_264 = arith.mulf %get3A_263, %gather3A : vector<16xf32>
            %swap3A_265 = arith.index_cast %scan3A_242 : i32 to index
            %swap3A_266 = arith.constant 32 : index
            %swap3A_267 = tpu.vector_load %arg16[%swap3A_265, %swap3A_266] {strides = array<i32>} : memref<128x64xf32, #tpu.memory_space<vmem>>, vector<16xf32>,
            tpu.vector_store %arg16[%swap3A_265, %swap3A_266], %mul3A_264 {strides = array<i32>} : memref<128x64xf32, #tpu.memory_space<vmem>>, vector<16xf32>,
            %get3A_268 = arith.index_cast %scan3A_242 : i32 to index
            %get3A_269 = arith.constant 48 : index
            %get3A_270 = tpu.vector_load %arg16[%get3A_268, %get3A_269] {strides = array<i32>} : memref<128x64xf32, #tpu.memory_space<vmem>>, vector<16xf32>,
            %mul3A_271 = arith.mulf %get3A_270, %gather3A : vector<16xf32>
            %swap3A_272 = arith.index_cast %scan3A_242 : i32 to index
            %swap3A_273 = arith.constant 48 : index
            %swap3A_274 = tpu.vector_load %arg16[%swap3A_272, %swap3A_273] {strides = array<i32>} : memref<128x64xf32, #tpu.memory_space<vmem>>, vector<16xf32>,
            tpu.vector_store %arg16[%swap3A_272, %swap3A_273], %mul3A_271 {strides = array<i32>} : memref<128x64xf32, #tpu.memory_space<vmem>>, vector<16xf32>,
          }
          %scan3A_241 = arith.constant 128 : i32
          "tpu.region"() ({
            %run_scoped3A = tpu.sem_alloc : memref<!tpu.dma_semaphore, #tpu.memory_space<semaphore_mem>>
            %dma_start3A = arith.constant 0 : i32
            %dma_start3A_242 = arith.constant 0 : i32
            %dma_start3A_243 = tpu.memref_slice %arg17[%dma_start3A, %dma_start3A_242] : memref<16384x64xf32, #tpu.memory_space<vmem_shared>> -> memref<16384x64xf32, #tpu.memory_space<vmem_shared>>
            tpu.enqueue_indirect_dma source(%arg16 : memref<128x64xf32, #tpu.memory_space<vmem>>) target(%dma_start3A_243 : memref<16384x64xf32, #tpu.memory_space<vmem_shared>>) offsets(%arg15 : memref<128xi32, #tpu.memory_space<vmem>>) semaphore(%run_scoped3A : memref<!tpu.dma_semaphore, #tpu.memory_space<semaphore_mem>>) {add = true}
            %dma_wait3A = arith.constant 0 : i32
            %dma_wait3A_244 = arith.constant 0 : i32
            %dma_wait3A_245 = tpu.memref_slice %arg17[%dma_wait3A, %dma_wait3A_244] : memref<16384x64xf32, #tpu.memory_space<vmem_shared>> -> memref<16384x64xf32, #tpu.memory_space<vmem_shared>>
            tpu.wait_indirect_dma semaphore(%run_scoped3A : memref<!tpu.dma_semaphore, #tpu.memory_space<semaphore_mem>>) src(%arg16 : memref<128x64xf32, #tpu.memory_space<vmem>>) dst(%dma_wait3A_245 : memref<16384x64xf32, #tpu.memory_space<vmem_shared>>)
            tpu.yield
          }) : () -> ()
        }
        %while3A_108 = arith.constant 1 : i32
        scf.for %while3A_109 = %while3A_106 to %while3A_102 step %while3A_108  : i32 {
          %mul3A_110 = arith.constant 128 : i32
          %mul3A_111 = arith.muli %while3A_109, %mul3A_110 : i32
          %add3A_112 = arith.constant 0 : i32
          %add3A_113 = arith.addi %mul3A_111, %add3A_112 : i32
          %get3A = arith.index_cast %add3A_113 : i32 to index
          %get3A_114 = tpu.vector_load %arg11[%get3A] {strides = array<i32>} : memref<2208xi32, #tpu.memory_space<vmem>>, vector<16xi32>,
          %swap3A = arith.constant 0 : index
          %swap3A_115 = tpu.vector_load %arg14[%swap3A] {strides = array<i32>} : memref<128xi32, #tpu.memory_space<vmem>>, vector<16xi32>,
          tpu.vector_store %arg14[%swap3A], %get3A_114 {strides = array<i32>} : memref<128xi32, #tpu.memory_space<vmem>>, vector<16xi32>,
          %mul3A_116 = arith.constant 128 : i32
          %mul3A_117 = arith.muli %while3A_109, %mul3A_116 : i32
          %add3A_118 = arith.constant 0 : i32
          %add3A_119 = arith.addi %mul3A_117, %add3A_118 : i32
          %get3A_120 = arith.index_cast %add3A_119 : i32 to index
          %get3A_121 = tpu.vector_load %arg12[%get3A_120] {strides = array<i32>} : memref<2208xi32, #tpu.memory_space<vmem>>, vector<16xi32>,
          %swap3A_122 = arith.constant 0 : index
          %swap3A_123 = tpu.vector_load %arg15[%swap3A_122] {strides = array<i32>} : memref<128xi32, #tpu.memory_space<vmem>>, vector<16xi32>,
          tpu.vector_store %arg15[%swap3A_122], %get3A_121 {strides = array<i32>} : memref<128xi32, #tpu.memory_space<vmem>>, vector<16xi32>,
          %mul3A_124 = arith.constant 128 : i32
          %mul3A_125 = arith.muli %while3A_109, %mul3A_124 : i32
          %add3A_126 = arith.constant 16 : i32
          %add3A_127 = arith.addi %mul3A_125, %add3A_126 : i32
          %get3A_128 = arith.index_cast %add3A_127 : i32 to index
          %get3A_129 = tpu.vector_load %arg11[%get3A_128] {strides = array<i32>} : memref<2208xi32, #tpu.memory_space<vmem>>, vector<16xi32>,
          %swap3A_130 = arith.constant 16 : index
          %swap3A_131 = tpu.vector_load %arg14[%swap3A_130] {strides = array<i32>} : memref<128xi32, #tpu.memory_space<vmem>>, vector<16xi32>,
          tpu.vector_store %arg14[%swap3A_130], %get3A_129 {strides = array<i32>} : memref<128xi32, #tpu.memory_space<vmem>>, vector<16xi32>,
          %mul3A_132 = arith.constant 128 : i32
          %mul3A_133 = arith.muli %while3A_109, %mul3A_132 : i32
          %add3A_134 = arith.constant 16 : i32
          %add3A_135 = arith.addi %mul3A_133, %add3A_134 : i32
          %get3A_136 = arith.index_cast %add3A_135 : i32 to index
          %get3A_137 = tpu.vector_load %arg12[%get3A_136] {strides = array<i32>} : memref<2208xi32, #tpu.memory_space<vmem>>, vector<16xi32>,
          %swap3A_138 = arith.constant 16 : index
          %swap3A_139 = tpu.vector_load %arg15[%swap3A_138] {strides = array<i32>} : memref<128xi32, #tpu.memory_space<vmem>>, vector<16xi32>,
          tpu.vector_store %arg15[%swap3A_138], %get3A_137 {strides = array<i32>} : memref<128xi32, #tpu.memory_space<vmem>>, vector<16xi32>,
          %mul3A_140 = arith.constant 128 : i32
          %mul3A_141 = arith.muli %while3A_109, %mul3A_140 : i32
          %add3A_142 = arith.constant 32 : i32
          %add3A_143 = arith.addi %mul3A_141, %add3A_142 : i32
          %get3A_144 = arith.index_cast %add3A_143 : i32 to index
          %get3A_145 = tpu.vector_load %arg11[%get3A_144] {strides = array<i32>} : memref<2208xi32, #tpu.memory_space<vmem>>, vector<16xi32>,
          %swap3A_146 = arith.constant 32 : index
          %swap3A_147 = tpu.vector_load %arg14[%swap3A_146] {strides = array<i32>} : memref<128xi32, #tpu.memory_space<vmem>>, vector<16xi32>,
          tpu.vector_store %arg14[%swap3A_146], %get3A_145 {strides = array<i32>} : memref<128xi32, #tpu.memory_space<vmem>>, vector<16xi32>,
          %mul3A_148 = arith.constant 128 : i32
          %mul3A_149 = arith.muli %while3A_109, %mul3A_148 : i32
          %add3A_150 = arith.constant 32 : i32
          %add3A_151 = arith.addi %mul3A_149, %add3A_150 : i32
          %get3A_152 = arith.index_cast %add3A_151 : i32 to index
          %get3A_153 = tpu.vector_load %arg12[%get3A_152] {strides = array<i32>} : memref<2208xi32, #tpu.memory_space<vmem>>, vector<16xi32>,
          %swap3A_154 = arith.constant 32 : index
          %swap3A_155 = tpu.vector_load %arg15[%swap3A_154] {strides = array<i32>} : memref<128xi32, #tpu.memory_space<vmem>>, vector<16xi32>,
          tpu.vector_store %arg15[%swap3A_154], %get3A_153 {strides = array<i32>} : memref<128xi32, #tpu.memory_space<vmem>>, vector<16xi32>,
          %mul3A_156 = arith.constant 128 : i32
          %mul3A_157 = arith.muli %while3A_109, %mul3A_156 : i32
          %add3A_158 = arith.constant 48 : i32
          %add3A_159 = arith.addi %mul3A_157, %add3A_158 : i32
          %get3A_160 = arith.index_cast %add3A_159 : i32 to index
          %get3A_161 = tpu.vector_load %arg11[%get3A_160] {strides = array<i32>} : memref<2208xi32, #tpu.memory_space<vmem>>, vector<16xi32>,
          %swap3A_162 = arith.constant 48 : index
          %swap3A_163 = tpu.vector_load %arg14[%swap3A_162] {strides = array<i32>} : memref<128xi32, #tpu.memory_space<vmem>>, vector<16xi32>,
          tpu.vector_store %arg14[%swap3A_162], %get3A_161 {strides = array<i32>} : memref<128xi32, #tpu.memory_space<vmem>>, vector<16xi32>,
          %mul3A_164 = arith.constant 128 : i32
          %mul3A_165 = arith.muli %while3A_109, %mul3A_164 : i32
          %add3A_166 = arith.constant 48 : i32
          %add3A_167 = arith.addi %mul3A_165, %add3A_166 : i32
          %get3A_168 = arith.index_cast %add3A_167 : i32 to index
          %get3A_169 = tpu.vector_load %arg12[%get3A_168] {strides = array<i32>} : memref<2208xi32, #tpu.memory_space<vmem>>, vector<16xi32>,
          %swap3A_170 = arith.constant 48 : index
          %swap3A_171 = tpu.vector_load %arg15[%swap3A_170] {strides = array<i32>} : memref<128xi32, #tpu.memory_space<vmem>>, vector<16xi32>,
          tpu.vector_store %arg15[%swap3A_170], %get3A_169 {strides = array<i32>} : memref<128xi32, #tpu.memory_space<vmem>>, vector<16xi32>,
          %mul3A_172 = arith.constant 128 : i32
          %mul3A_173 = arith.muli %while3A_109, %mul3A_172 : i32
          %add3A_174 = arith.constant 64 : i32
          %add3A_175 = arith.addi %mul3A_173, %add3A_174 : i32
          %get3A_176 = arith.index_cast %add3A_175 : i32 to index
          %get3A_177 = tpu.vector_load %arg11[%get3A_176] {strides = array<i32>} : memref<2208xi32, #tpu.memory_space<vmem>>, vector<16xi32>,
          %swap3A_178 = arith.constant 64 : index
          %swap3A_179 = tpu.vector_load %arg14[%swap3A_178] {strides = array<i32>} : memref<128xi32, #tpu.memory_space<vmem>>, vector<16xi32>,
          tpu.vector_store %arg14[%swap3A_178], %get3A_177 {strides = array<i32>} : memref<128xi32, #tpu.memory_space<vmem>>, vector<16xi32>,
          %mul3A_180 = arith.constant 128 : i32
          %mul3A_181 = arith.muli %while3A_109, %mul3A_180 : i32
          %add3A_182 = arith.constant 64 : i32
          %add3A_183 = arith.addi %mul3A_181, %add3A_182 : i32
          %get3A_184 = arith.index_cast %add3A_183 : i32 to index
          %get3A_185 = tpu.vector_load %arg12[%get3A_184] {strides = array<i32>} : memref<2208xi32, #tpu.memory_space<vmem>>, vector<16xi32>,
          %swap3A_186 = arith.constant 64 : index
          %swap3A_187 = tpu.vector_load %arg15[%swap3A_186] {strides = array<i32>} : memref<128xi32, #tpu.memory_space<vmem>>, vector<16xi32>,
          tpu.vector_store %arg15[%swap3A_186], %get3A_185 {strides = array<i32>} : memref<128xi32, #tpu.memory_space<vmem>>, vector<16xi32>,
          %mul3A_188 = arith.constant 128 : i32
          %mul3A_189 = arith.muli %while3A_109, %mul3A_188 : i32
          %add3A_190 = arith.constant 80 : i32
          %add3A_191 = arith.addi %mul3A_189, %add3A_190 : i32
          %get3A_192 = arith.index_cast %add3A_191 : i32 to index
          %get3A_193 = tpu.vector_load %arg11[%get3A_192] {strides = array<i32>} : memref<2208xi32, #tpu.memory_space<vmem>>, vector<16xi32>,
          %swap3A_194 = arith.constant 80 : index
          %swap3A_195 = tpu.vector_load %arg14[%swap3A_194] {strides = array<i32>} : memref<128xi32, #tpu.memory_space<vmem>>, vector<16xi32>,
          tpu.vector_store %arg14[%swap3A_194], %get3A_193 {strides = array<i32>} : memref<128xi32, #tpu.memory_space<vmem>>, vector<16xi32>,
          %mul3A_196 = arith.constant 128 : i32
          %mul3A_197 = arith.muli %while3A_109, %mul3A_196 : i32
          %add3A_198 = arith.constant 80 : i32
          %add3A_199 = arith.addi %mul3A_197, %add3A_198 : i32
          %get3A_200 = arith.index_cast %add3A_199 : i32 to index
          %get3A_201 = tpu.vector_load %arg12[%get3A_200] {strides = array<i32>} : memref<2208xi32, #tpu.memory_space<vmem>>, vector<16xi32>,
          %swap3A_202 = arith.constant 80 : index
          %swap3A_203 = tpu.vector_load %arg15[%swap3A_202] {strides = array<i32>} : memref<128xi32, #tpu.memory_space<vmem>>, vector<16xi32>,
          tpu.vector_store %arg15[%swap3A_202], %get3A_201 {strides = array<i32>} : memref<128xi32, #tpu.memory_space<vmem>>, vector<16xi32>,
          %mul3A_204 = arith.constant 128 : i32
          %mul3A_205 = arith.muli %while3A_109, %mul3A_204 : i32
          %add3A_206 = arith.constant 96 : i32
          %add3A_207 = arith.addi %mul3A_205, %add3A_206 : i32
          %get3A_208 = arith.index_cast %add3A_207 : i32 to index
          %get3A_209 = tpu.vector_load %arg11[%get3A_208] {strides = array<i32>} : memref<2208xi32, #tpu.memory_space<vmem>>, vector<16xi32>,
          %swap3A_210 = arith.constant 96 : index
          %swap3A_211 = tpu.vector_load %arg14[%swap3A_210] {strides = array<i32>} : memref<128xi32, #tpu.memory_space<vmem>>, vector<16xi32>,
          tpu.vector_store %arg14[%swap3A_210], %get3A_209 {strides = array<i32>} : memref<128xi32, #tpu.memory_space<vmem>>, vector<16xi32>,
          %mul3A_212 = arith.constant 128 : i32
          %mul3A_213 = arith.muli %while3A_109, %mul3A_212 : i32
          %add3A_214 = arith.constant 96 : i32
          %add3A_215 = arith.addi %mul3A_213, %add3A_214 : i32
          %get3A_216 = arith.index_cast %add3A_215 : i32 to index
          %get3A_217 = tpu.vector_load %arg12[%get3A_216] {strides = array<i32>} : memref<2208xi32, #tpu.memory_space<vmem>>, vector<16xi32>,
          %swap3A_218 = arith.constant 96 : index
          %swap3A_219 = tpu.vector_load %arg15[%swap3A_218] {strides = array<i32>} : memref<128xi32, #tpu.memory_space<vmem>>, vector<16xi32>,
          tpu.vector_store %arg15[%swap3A_218], %get3A_217 {strides = array<i32>} : memref<128xi32, #tpu.memory_space<vmem>>, vector<16xi32>,
          %mul3A_220 = arith.constant 128 : i32
          %mul3A_221 = arith.muli %while3A_109, %mul3A_220 : i32
          %add3A_222 = arith.constant 112 : i32
          %add3A_223 = arith.addi %mul3A_221, %add3A_222 : i32
          %get3A_224 = arith.index_cast %add3A_223 : i32 to index
          %get3A_225 = tpu.vector_load %arg11[%get3A_224] {strides = array<i32>} : memref<2208xi32, #tpu.memory_space<vmem>>, vector<16xi32>,
          %swap3A_226 = arith.constant 112 : index
          %swap3A_227 = tpu.vector_load %arg14[%swap3A_226] {strides = array<i32>} : memref<128xi32, #tpu.memory_space<vmem>>, vector<16xi32>,
          tpu.vector_store %arg14[%swap3A_226], %get3A_225 {strides = array<i32>} : memref<128xi32, #tpu.memory_space<vmem>>, vector<16xi32>,
          %mul3A_228 = arith.constant 128 : i32
          %mul3A_229 = arith.muli %while3A_109, %mul3A_228 : i32
          %add3A_230 = arith.constant 112 : i32
          %add3A_231 = arith.addi %mul3A_229, %add3A_230 : i32
          %get3A_232 = arith.index_cast %add3A_231 : i32 to index
          %get3A_233 = tpu.vector_load %arg12[%get3A_232] {strides = array<i32>} : memref<2208xi32, #tpu.memory_space<vmem>>, vector<16xi32>,
          %swap3A_234 = arith.constant 112 : index
          %swap3A_235 = tpu.vector_load %arg15[%swap3A_234] {strides = array<i32>} : memref<128xi32, #tpu.memory_space<vmem>>, vector<16xi32>,
          tpu.vector_store %arg15[%swap3A_234], %get3A_233 {strides = array<i32>} : memref<128xi32, #tpu.memory_space<vmem>>, vector<16xi32>,
          "tpu.region"() ({
            %run_scoped3A = tpu.sem_alloc : memref<!tpu.dma_semaphore, #tpu.memory_space<semaphore_mem>>
            %dma_start3A = arith.constant 0 : i32
            %dma_start3A_242 = arith.constant 0 : i32
            %dma_start3A_243 = tpu.memref_slice %arg3[%dma_start3A, %dma_start3A_242] : memref<262144x64xf32, #tpu.memory_space<hbm>> -> memref<262144x64xf32, #tpu.memory_space<hbm>>
            tpu.enqueue_indirect_dma source(%dma_start3A_243 : memref<262144x64xf32, #tpu.memory_space<hbm>>) target(%arg16 : memref<128x64xf32, #tpu.memory_space<vmem>>) offsets(%arg14 : memref<128xi32, #tpu.memory_space<vmem>>) semaphore(%run_scoped3A : memref<!tpu.dma_semaphore, #tpu.memory_space<semaphore_mem>>)
            %dma_wait3A = arith.constant 0 : i32
            %dma_wait3A_244 = arith.constant 0 : i32
            %dma_wait3A_245 = tpu.memref_slice %arg3[%dma_wait3A, %dma_wait3A_244] : memref<262144x64xf32, #tpu.memory_space<hbm>> -> memref<262144x64xf32, #tpu.memory_space<hbm>>
            tpu.wait_indirect_dma semaphore(%run_scoped3A : memref<!tpu.dma_semaphore, #tpu.memory_space<semaphore_mem>>) src(%dma_wait3A_245 : memref<262144x64xf32, #tpu.memory_space<hbm>>) dst(%arg16 : memref<128x64xf32, #tpu.memory_space<vmem>>)
            tpu.yield
          }) : () -> ()
          %scan3A_236 = arith.constant 0 : i32
          %scan3A_237 = arith.constant 0 : i32
          %scan3A_238 = arith.constant 128 : i32
          %scan3A_239 = arith.addi %scan3A_237, %scan3A_238 : i32
          %scan3A_240 = arith.constant 1 : i32
          scf.for %scan3A_242 = %scan3A_237 to %scan3A_239 step %scan3A_240  : i32 {
            %mul3A_243 = arith.constant 128 : i32
            %mul3A_244 = arith.muli %while3A_109, %mul3A_243 : i32
            %add3A_245 = arith.addi %mul3A_244, %scan3A_242 : i32
            %broadcast_in_dim3A_246 = vector.broadcast %add3A_245 : i32 to vector<16xi32>
            %gather3A = tpu.vector_load_idx %arg13[%broadcast_in_dim3A_246] : memref<2208xf32, #tpu.memory_space<vmem>>[vector<16xi32>], vector<16xf32>,
            %get3A_247 = arith.index_cast %scan3A_242 : i32 to index
            %get3A_248 = arith.constant 0 : index
            %get3A_249 = tpu.vector_load %arg16[%get3A_247, %get3A_248] {strides = array<i32>} : memref<128x64xf32, #tpu.memory_space<vmem>>, vector<16xf32>,
            %mul3A_250 = arith.mulf %get3A_249, %gather3A : vector<16xf32>
            %swap3A_251 = arith.index_cast %scan3A_242 : i32 to index
            %swap3A_252 = arith.constant 0 : index
            %swap3A_253 = tpu.vector_load %arg16[%swap3A_251, %swap3A_252] {strides = array<i32>} : memref<128x64xf32, #tpu.memory_space<vmem>>, vector<16xf32>,
            tpu.vector_store %arg16[%swap3A_251, %swap3A_252], %mul3A_250 {strides = array<i32>} : memref<128x64xf32, #tpu.memory_space<vmem>>, vector<16xf32>,
            %get3A_254 = arith.index_cast %scan3A_242 : i32 to index
            %get3A_255 = arith.constant 16 : index
            %get3A_256 = tpu.vector_load %arg16[%get3A_254, %get3A_255] {strides = array<i32>} : memref<128x64xf32, #tpu.memory_space<vmem>>, vector<16xf32>,
            %mul3A_257 = arith.mulf %get3A_256, %gather3A : vector<16xf32>
            %swap3A_258 = arith.index_cast %scan3A_242 : i32 to index
            %swap3A_259 = arith.constant 16 : index
            %swap3A_260 = tpu.vector_load %arg16[%swap3A_258, %swap3A_259] {strides = array<i32>} : memref<128x64xf32, #tpu.memory_space<vmem>>, vector<16xf32>,
            tpu.vector_store %arg16[%swap3A_258, %swap3A_259], %mul3A_257 {strides = array<i32>} : memref<128x64xf32, #tpu.memory_space<vmem>>, vector<16xf32>,
            %get3A_261 = arith.index_cast %scan3A_242 : i32 to index
            %get3A_262 = arith.constant 32 : index
            %get3A_263 = tpu.vector_load %arg16[%get3A_261, %get3A_262] {strides = array<i32>} : memref<128x64xf32, #tpu.memory_space<vmem>>, vector<16xf32>,
            %mul3A_264 = arith.mulf %get3A_263, %gather3A : vector<16xf32>
            %swap3A_265 = arith.index_cast %scan3A_242 : i32 to index
            %swap3A_266 = arith.constant 32 : index
            %swap3A_267 = tpu.vector_load %arg16[%swap3A_265, %swap3A_266] {strides = array<i32>} : memref<128x64xf32, #tpu.memory_space<vmem>>, vector<16xf32>,
            tpu.vector_store %arg16[%swap3A_265, %swap3A_266], %mul3A_264 {strides = array<i32>} : memref<128x64xf32, #tpu.memory_space<vmem>>, vector<16xf32>,
            %get3A_268 = arith.index_cast %scan3A_242 : i32 to index
            %get3A_269 = arith.constant 48 : index
            %get3A_270 = tpu.vector_load %arg16[%get3A_268, %get3A_269] {strides = array<i32>} : memref<128x64xf32, #tpu.memory_space<vmem>>, vector<16xf32>,
            %mul3A_271 = arith.mulf %get3A_270, %gather3A : vector<16xf32>
            %swap3A_272 = arith.index_cast %scan3A_242 : i32 to index
            %swap3A_273 = arith.constant 48 : index
            %swap3A_274 = tpu.vector_load %arg16[%swap3A_272, %swap3A_273] {strides = array<i32>} : memref<128x64xf32, #tpu.memory_space<vmem>>, vector<16xf32>,
            tpu.vector_store %arg16[%swap3A_272, %swap3A_273], %mul3A_271 {strides = array<i32>} : memref<128x64xf32, #tpu.memory_space<vmem>>, vector<16xf32>,
          }
          %scan3A_241 = arith.constant 128 : i32
          "tpu.region"() ({
            %run_scoped3A = tpu.sem_alloc : memref<!tpu.dma_semaphore, #tpu.memory_space<semaphore_mem>>
            %dma_start3A = arith.constant 0 : i32
            %dma_start3A_242 = arith.constant 0 : i32
            %dma_start3A_243 = tpu.memref_slice %arg17[%dma_start3A, %dma_start3A_242] : memref<16384x64xf32, #tpu.memory_space<vmem_shared>> -> memref<16384x64xf32, #tpu.memory_space<vmem_shared>>
            tpu.enqueue_indirect_dma source(%arg16 : memref<128x64xf32, #tpu.memory_space<vmem>>) target(%dma_start3A_243 : memref<16384x64xf32, #tpu.memory_space<vmem_shared>>) offsets(%arg15 : memref<128xi32, #tpu.memory_space<vmem>>) semaphore(%run_scoped3A : memref<!tpu.dma_semaphore, #tpu.memory_space<semaphore_mem>>) {add = true}
            %dma_wait3A = arith.constant 0 : i32
            %dma_wait3A_244 = arith.constant 0 : i32
            %dma_wait3A_245 = tpu.memref_slice %arg17[%dma_wait3A, %dma_wait3A_244] : memref<16384x64xf32, #tpu.memory_space<vmem_shared>> -> memref<16384x64xf32, #tpu.memory_space<vmem_shared>>
            tpu.wait_indirect_dma semaphore(%run_scoped3A : memref<!tpu.dma_semaphore, #tpu.memory_space<semaphore_mem>>) src(%arg16 : memref<128x64xf32, #tpu.memory_space<vmem>>) dst(%dma_wait3A_245 : memref<16384x64xf32, #tpu.memory_space<vmem_shared>>)
            tpu.yield
          }) : () -> ()
        }
      }
      %scan3A_19 = arith.constant 32 : i32
      %barrier3A_20 = arith.constant 0 : index
      tpu.barrier barrier_id(%barrier3A_20)
      %add3A_21 = arith.addi %add3A, %mul3A_12 : i32
      "tpu.region"() ({
        %run_scoped3A = tpu.sem_alloc : memref<!tpu.dma_semaphore, #tpu.memory_space<semaphore_mem>>
        %dma_start3A = arith.constant 0 : i32
        %dma_start3A_22 = tpu.memref_slice %arg7[%add3A_21, %dma_start3A] : memref<262144x64xf32, #tpu.memory_space<hbm>> -> memref<1024x64xf32, #tpu.memory_space<hbm>>
        %dma_start3A_23 = arith.constant 0 : i32
        %dma_start3A_24 = tpu.memref_slice %arg17[%mul3A_12, %dma_start3A_23] : memref<16384x64xf32, #tpu.memory_space<vmem_shared>> -> memref<1024x64xf32, #tpu.memory_space<vmem_shared>>
        tpu.enqueue_dma source(%dma_start3A_24 : memref<1024x64xf32, #tpu.memory_space<vmem_shared>>) target(%dma_start3A_22 : memref<1024x64xf32, #tpu.memory_space<hbm>>) target_semaphore(%run_scoped3A : memref<!tpu.dma_semaphore, #tpu.memory_space<semaphore_mem>>)
        %dma_wait3A = arith.constant 0 : i32
        %dma_wait3A_25 = tpu.memref_slice %arg7[%add3A_21, %dma_wait3A] : memref<262144x64xf32, #tpu.memory_space<hbm>> -> memref<1024x64xf32, #tpu.memory_space<hbm>>
        %dma_wait3A_26 = arith.constant 0 : i32
        %dma_wait3A_27 = tpu.memref_slice %arg17[%mul3A_12, %dma_wait3A_26] : memref<16384x64xf32, #tpu.memory_space<vmem_shared>> -> memref<1024x64xf32, #tpu.memory_space<vmem_shared>>
        tpu.wait_dma2 semaphore(%run_scoped3A : memref<!tpu.dma_semaphore, #tpu.memory_space<semaphore_mem>>) src(%dma_wait3A_27 : memref<1024x64xf32, #tpu.memory_space<vmem_shared>>) dst(%dma_wait3A_25 : memref<1024x64xf32, #tpu.memory_space<hbm>>)
        tpu.yield
      }) : () -> ()
    }
    %scan3A_5 = arith.constant 8 : i32
    return
  }
}

</mosaic_0001>

<sc_bundles>
// kernel: kernel.3.cloned.1.call-start
scs
__scs_entry_jumppad:
0x0: {  	(pc) =	sbr.rel $0x88, $3  }
0x1: {  	(tag) =	ssettag $0x0;
	lr =	simm.s32 $0x1  }
0x2: {  	[smem:$0x3F9C] =	sst lr;
	_ =	strace $0xD0000000  }
0x3: {  	_ = 	snop  }
0x4: {  	_ = 	snop  }
0x5: {  	_ = 	snop  }
0x6: {  	_ = 	snop  }
0x7: {  	_ = 	snop  }
__scs_overlays_trampoline_lowered:
0x8: {  	[smem:$0x3FAB] =	sst s0  }
0x9: {  	[smem:$0x3FAC] =	sst s1  }
0xa: {  	[smem:$0x3FAD] =	sst s2  }
0xb: {  	[smem:$0x3FAE] =	sst s3  }
0xc: {  	[smem:$0x3FAF] =	sst s4  }
0xd: {  	[smem:$0x3FB0] =	sst s5  }
0xe: {  	[smem:$0x3FB1] =	sst s6  }
0xf: {  	[smem:$0x3FB2] =	sst s7  }
0x10: {  	[smem:$0x3FB3] =	sst s8  }
0x11: {  	[smem:$0x3FB4] =	sst s9;
	s0 =	simm.s32 @!p0 $0x0  }
0x12: {  	s1 =	sld [smem:$0x3F9A];
	s0 =	simm.s32 @p0 $0x1  }
0x13: {  	[smem:$0x3FB5] =	sst s0;
	s0 =	simm.s32 @!p1 $0x0  }
0x14: {  	s2 =	sld [smem:$0x3F99];
	s0 =	simm.s32 @p1 $0x1  }
0x15: {  	[smem:$0x3FB6] =	sst s0;
	s0 =	simm.s32 @!p2 $0x0  }
0x16: {  	s3 =	sld [smem:$0x3FDB];
	s0 =	simm.s32 @p2 $0x1  }
0x17: {  	s4 =	simm.s32 $0x1BF5;
	[smem:$0x3FB8] =	sst s0  }
0x18: {  	s0 =	sld [smem:$0x3F9B];
	_ =	swait.ge [sflag:s4], $0x0  }
0x19: {  	s7 =	sld [smem:$0x3F9C]  }
0x1a: {  	s8 =	sadd.s32 $0xFFFFE003, lr  }
0x1b: {  	s9 =	sadd.s32 $0xFFFFFEF7, lr;
	s5 =	simm.s32 $0xFFFFFFFF;
	p2 =	slt.u32 s8, $0xFFFFF086  }
0x1c: {  	p1 =	slt.u32 s9, $0xF7A;
	s5 =	simm.s32 @!p2 $0x0  }
0x1d: {  	s5 =	simm.s32 @p1 $0x1;
	p0 =	seq.s32 s7, s2  }
0x1e: {  	s7 =	smul.u32 @!p0 $0xF7A, s2;
	p2 =	seq.s32 @!p0 s5, $0x0  }
0x1f: {  	s9 =	smul.u32 $0xF7A, s1;
	s8 =	simm.s32 @!p0 $0x1BF5;
	p2 =	por !p2, p0  }
0x20: {  	[sflag:s8] =	ssyncset.s32 @!p0 $0xFFFFF086;
	s6 =	sadd.s32 @!p0 s3, s7;
	s7 =	simm.s32 @!p0 $0x108  }
0x21: {  	s3 =	sadd.s32 s3, s9;
	s6 =	sadd.s32 @!p0 $0x88, s6;
	s7 =	simm.s32 @p2 $0x1082  }
0x22: {  	[simem:s7], [sflag:s8] =	dma.local @!p0 [hbm:s6], $0xF7A  }
0x23: {  	s9 =	sor.u32 $0xD0000000, s2;
	s6 =	simm.s32 $0x108;
	_ =	swait.ge @!p0 [sflag:s8], $0x0  }
0x24: {  	s3 =	sadd.s32 $0x88, s3;
	s6 =	simm.s32 @!p1 $0x1082;
	[sflag:s4] =	ssyncset.s32 $0xFFFFF086  }
0x25: {  	[simem:s6], [sflag:s4] =	dma.local [hbm:s3], $0xF7A  }
0x26: {  	[smem:$0x3F9C] =	sst s1;
	(tag) =	ssettag s2;
	_ =	strace s9  }
0x27: {  	s1 =	sld [smem:$0x3FAC]  }
0x28: {  	s2 =	sld [smem:$0x3FAD]  }
0x29: {  	s4 =	sld [smem:$0x3FAF]  }
0x2a: {  	p0 =	seq.s32 s5, $0x0;
	s5 =	sld [smem:$0x3FB0]  }
0x2b: {  	s6 =	sld [smem:$0x3FB1]  }
0x2c: {  	s7 =	sld [smem:$0x3FB2]  }
0x2d: {  	s3 =	simm.s32 $0x108;
	s8 =	sld [smem:$0x3FB3]  }
0x2e: {  	s3 =	simm.s32 @!p0 $0x1082;
	s9 =	sld [smem:$0x3FB4]  }
0x2f: {  	lr =	sadd.s32 s0, s3;
	s0 =	sld [smem:$0x3FAB]  }
0x30: {  	s3 =	sld [smem:$0x3FAE]  }
0x31: {  	[smem:$0x3FB7] =	sst s10  }
0x32: {  	s10 =	sld [smem:$0x3FB5];
	_ =	sdelay $0x3  }
0x33: {  	p0 =	seq.s32 s10, $0x1;
	s10 =	sld [smem:$0x3FB7];
	_ =	sdelay $0x3  }
0x34: {  	[smem:$0x3FB7] =	sst s10  }
0x35: {  	s10 =	sld [smem:$0x3FB6];
	_ =	sdelay $0x3  }
0x36: {  	p1 =	seq.s32 s10, $0x1;
	s10 =	sld [smem:$0x3FB7];
	_ =	sdelay $0x3  }
0x37: {  	[smem:$0x3FB7] =	sst s10  }
0x38: {  	s10 =	sld [smem:$0x3FB8]  }
0x39: {  	_ = 	snop;
	(pc) =	sbr.ind lr, $3  }
0x3a: {  	_ = 	snop  }
0x3b: {  	_ = 	snop  }
0x3c: {  	p2 =	seq.s32 s10, $0x1;
	s10 =	sld [smem:$0x3FB7]  }
0x3d: {  	_ =	shalt  }
0x3e: {  	_ =	shalt  }
0x3f: {  	_ =	shalt  }
0x40: {  	_ =	shalt  }
0x41: {  	_ =	shalt  }
0x42: {  	_ =	shalt  }
0x43: {  	_ =	shalt  }
0x44: {  	_ =	shalt  }
0x45: {  	_ =	shalt  }
0x46: {  	_ =	shalt  }
0x47: {  	_ =	shalt  }
0x48: {  	_ =	shalt  }
0x49: {  	_ =	shalt  }
0x4a: {  	_ =	shalt  }
0x4b: {  	_ =	shalt  }
0x4c: {  	_ =	shalt  }
0x4d: {  	_ =	shalt  }
0x4e: {  	_ =	shalt  }
0x4f: {  	_ =	shalt  }
0x50: {  	_ =	shalt  }
0x51: {  	_ =	shalt  }
0x52: {  	_ =	shalt  }
0x53: {  	_ =	shalt  }
0x54: {  	_ =	shalt  }
0x55: {  	_ =	shalt  }
0x56: {  	_ =	shalt  }
0x57: {  	_ =	shalt  }
0x58: {  	_ =	shalt  }
0x59: {  	_ =	shalt  }
0x5a: {  	_ =	shalt  }
0x5b: {  	_ =	shalt  }
0x5c: {  	_ =	shalt  }
0x5d: {  	_ =	shalt  }
0x5e: {  	_ =	shalt  }
0x5f: {  	_ =	shalt  }
0x60: {  	_ =	shalt  }
0x61: {  	_ =	shalt  }
0x62: {  	_ =	shalt  }
0x63: {  	_ =	shalt  }
0x64: {  	_ =	shalt  }
0x65: {  	_ =	shalt  }
0x66: {  	_ =	shalt  }
0x67: {  	_ =	shalt  }
0x68: {  	_ =	shalt  }
0x69: {  	_ =	shalt  }
0x6a: {  	_ =	shalt  }
0x6b: {  	_ =	shalt  }
0x6c: {  	_ =	shalt  }
0x6d: {  	_ =	shalt  }
0x6e: {  	_ =	shalt  }
0x6f: {  	_ =	shalt  }
0x70: {  	_ =	shalt  }
0x71: {  	_ =	shalt  }
0x72: {  	_ =	shalt  }
0x73: {  	_ =	shalt  }
0x74: {  	_ =	shalt  }
0x75: {  	_ =	shalt  }
0x76: {  	_ =	shalt  }
0x77: {  	_ =	shalt  }
0x78: {  	_ =	shalt  }
0x79: {  	_ =	shalt  }
0x7a: {  	_ =	shalt  }
0x7b: {  	_ =	shalt  }
0x7c: {  	_ =	shalt  }
0x7d: {  	_ =	shalt  }
0x7e: {  	_ =	shalt  }
0x7f: {  	_ =	shalt  }
0x80: {  	_ =	shalt  }
0x81: {  	_ =	shalt  }
0x82: {  	_ =	shalt  }
0x83: {  	_ =	shalt  }
0x84: {  	_ =	shalt  }
0x85: {  	_ =	shalt  }
0x86: {  	_ =	shalt  }
0x87: {  	_ =	shalt  }
.Lfunc_end0:
.L_simem_size_0:
called_computation.1_lowered:
.L_overlay_start_0:
0x88: {  	s2 =	sld [smem:$0x3FD9]  }
0x89: {  	s3 =	sld [smem:$0x3FFE];
	_ =	sdelay $0x1  }
0x8a: {  	s1 =	srdreg.scid  }
0x8b: {  	s0 =	sand.u32 $0x1, s1  }
0x8c: {  	s17 =	sshll.u32 s0, $0xA;
	s2 =	sadd.s32 s3, s2  }
0x8d: {  	s2 =	sadd.s32 s2, s17  }
0x8e: {  	[smem:$0x3FC3] =	sst s2  }
0x8f: {  	_ = 	snop  }
0x90: {  	s2 =	sld [smem:$0x3FC7]  }
0x91: {  	s18 =	sld [smem:$0x3FC6]  }
0x92: {  	s4 =	sld [smem:$0x3FC5]  }
0x93: {  	s5 =	sld [smem:$0x3FD0];
	(tm) =	ssettm $0x1  }
0x94: {  	s6 =	sld [smem:$0x3FFB];
	_ =	sdelay $0x3  }
0x95: {  	_ =	strace s6  }
0x96: {  	s6 =	sld [smem:$0x3FFC];
	_ =	sdelay $0x3  }
0x97: {  	_ =	strace s6  }
0x98: {  	s6 =	sld [smem:$0x3FFD];
	_ =	sdelay $0x3  }
0x99: {  	_ =	strace s6  }
0x9a: {  	_ =	strace $0x8FFFFFFF  }
0x9b: {  	s19 =	sld [smem:$0x3FDB];
	_ =	sdelay $0x1  }
0x9c: {  	s7 =	simm.s32 $_scs_section_size  }
0x9d: {  	s8 =	simm.s32 $_size__tile_overlayer_lowered;
	s9 =	simm.s32 $_tile_overlayer_lowered  }
0x9e: {  	s22 =	simm.s32 $0x1BFF;
	s21 =	sshll.u32 s9, $0x1;
	s6 =	sadd.s32 s7, s19  }
0x9f: {  	s10 =	simm.s32 $0x0;
	s20 =	sshll.u32 s8, $0x1;
	s8 =	sadd.s32 s21, s6  }
0xa0: {  	[timem:s10], [sflag:s22] =	dma.local [hbm:s8], s20  }
0xa1: {  	_ =	swait.ge [sflag:s22], s20  }
0xa2: {  	s7 =	ssub.s32 $0x0, s20;
	[sflag:s22] =	ssyncset.done $0x0  }
0xa3: {  	[sflag:s22] =	ssyncadd.s32 s7;
	_ =	sdelay $0x1  }
0xa4: {  	s23 =	simm.s32 $0x1B8B  }
0xa5: {  	_ =	swait.ge [sflag:s23], $0x1  }
0xa6: {  	[sflag:s23] =	ssyncset.done $0x0  }
0xa7: {  	s25 =	simm.s32 $0x1B8E;
	s24 =	sld [smem:$0x3FFE];
	[sflag:s23] =	ssyncadd.s32 $0xFFFFFFFF  }
0xa8: {  	s26 =	simm.s32 $execute0_lowered;
	[smem:$0x3FD2] =	sst s25  }
0xa9: {  	s8 =	sshll.u32 s26, $0x1;
	_ =	strace $0x80000046;
	[dreg:$0x1] =	wrdreg $0xFFFFFFFF  }
0xaa: {  	s28 =	simm.s32 $_size_execute0_lowered;
	s6 =	sadd.s32 s6, s8;
	[dreg:$0x0] =	wrdreg $0x0  }
0xab: {  	s8 =	sshll.u32 s28, $0x1;
	[dreg:$0x2] =	wrdreg s6  }
0xac: {  	[dreg:$0x3] =	wrdreg s8  }
0xad: {  	[dreg:$0x4] =	wrdreg $0xC0  }
0xae: {  	_ =	task [dreg:s10], $0x5FFFF  }
0xaf: {  	[dreg:$0x1] =	wrdreg $0xFFFFFFFF  }
0xb0: {  	[dreg:$0x0] =	wrdreg $0x60  }
0xb1: {  	[dreg:$0x2] =	wrdreg s5  }
0xb2: {  	[dreg:$0x3] =	wrdreg s24  }
0xb3: {  	[dreg:$0x4] =	wrdreg s2  }
0xb4: {  	[dreg:$0x5] =	wrdreg s18  }
0xb5: {  	[dreg:$0x6] =	wrdreg s4  }
0xb6: {  	[dreg:$0x7] =	wrdreg $0x52E00  }
0xb7: {  	[dreg:$0x8] =	wrdreg $0x9  }
0xb8: {  	_ =	task.clear_ibuf [dreg:s10], $0x9FFFF;
	_ =	strace $0x90000046  }
0xb9: {  	s29 =	simm.s32 $0x9;
	_ =	strace $0x80000048  }
0xba: {  	_ =	swait.ge [sflag:s29], $0x1  }
0xbb: {  	[sflag:s29] =	ssyncadd.s32 $0xFFFFFFFF  }
0xbc: {  	_ =	strace $0x90000048  }
0xbd: {  	_ =	sfence  }
0xbe: {  	s30 =	sld [smem:$0x0];
	_ =	sdelay $0x2  }
0xbf: {  	s31 =	sshll.u32 s1, $0xD;
	s1 =	sshrl.u32 s1, $0x2  }
0xc0: {  	s3 =	sand.u32 $0x4000, s31;
	s1 =	sadd.s32 s1, s30  }
0xc1: {  	s0 =	sor.u32 s3, s0;
	s1 =	sshll.u32 s1, $0x11  }
0xc2: {  	s0 =	sor.u32 s1, s0  }
0xc3: {  	s0 =	sadd.s32 $0x8F2B, s0  }
0xc4: {  	[sflag:s0] =	ssyncadd.remote.s32 $0x1  }
0xc5: {  	_ =	sfence.sel $0xFFFF  }
0xc6: {  	[dreg:$0x0] =	wrdreg $0xFFFFFFFF;
	(pc) =	sbr.abs _section_cstart, $3  }
0xc7: {  	[dreg:$0x1] =	wrdreg $0xFFFFFFFF  }
0xc8: {  	_ =	task.clear_ibuf [dreg:s10], $0x2FFFF;
	_ =	strace $0x9FFFFFFF  }
0xc9: {  	(tm) =	ssettm $0x7FFFFFFF  }
tec
execute0_lowered:
.L_overlay_start_1:
0x0: {  	(tag) =	ssettag $0x1  }
0x1: {  	s1 =	rddreg [dreg:$0x1]  }
0x2: {  	s2 =	rddreg [dreg:$0x2]  }
0x3: {  	s3 =	rddreg [dreg:$0x3]  }
0x4: {  	s4 =	rddreg [dreg:$0x4]  }
0x5: {  	s5 =	rddreg [dreg:$0x5];
	s6 =	srdreg.scid;
	s0 =	simm.s32 $0x0  }
0x6: {  	s12 =	stileid.u32;
	s15 =	simm.s32 $0x1;
	s16 =	simm.s32 $0x800  }
0x7: {  	s17 =	simm.s32 $0x1000;
	s18 =	simm.s32 $0x20A0;
	s19 =	simm.s32 $0x1800  }
0x8: {  	s20 =	simm.s32 $0x2940;
	s21 =	simm.s32 $0x80;
	s22 =	simm.s32 $0x31E0  }
0x9: {  	s23 =	simm.s32 $0x32E0;
	s24 =	simm.s32 $0x3260;
	s28 =	simm.s32 $0x0  }
0xa: {  	s6 =	sand.u32 $0x1, s6;
	[smem:$0x7FF] =	sst s0;
	s8 =	sadd.s32 $0x400800, s1  }
.Ltmp0:
0xb: {  	s9 =	sadd.s32 $0x800, s1;
	s7 =	ssub.s32 $0x2, s6;
	(pc) =	sbr.rel .LBB2_1-.Ltmp0, $4  }
0xc: {  	v0 =	vlaneseq.u32;
	v1 =	vimm.s32 $0x0;
	v3 =	vimm.f32 $0.0e+00;
	s30 =	sshll.u32 s12, $0x10;
	s31 =	sshll.u32 s12, $0x6;
	s10 =	sshrl.u32 s7, $0x1  }
0xd: {  	v2 =	vor.u32 $0x890, v0;
	v4 =	vor.u32 $0x10, v0;
	v5 =	vor.u32 $0x20, v0;
	_ =	strace $0x80000047;
	s11 =	sshll.u32 s6, $0x11;
	s29 =	ssub.s32 s7, s10  }
0xe: {  	v6 =	vor.u32 $0x30, v0;
	v7 =	vor.u32 $0x40, v0;
	v8 =	vor.u32 $0x50, v0;
	s6 =	sadd.s32 s30, s5;
	s13 =	sor.u32 $0x1C01, s31;
	s1 =	smax.u32 s29, $0x1  }
0xf: {  	v9 =	vor.u32 $0x60, v0;
	v10 =	vor.u32 $0x70, v0;
	v11 =	vor.u32 $0x80, v0;
	s14 =	sshrl.u32 s6, $0x3;
	s10 =	sshll.u32 s12, $0xD;
	[dreg:$0x8] =	wrdreg s1  }
.LBB2_11:
0x10: {  	s0 =	rddreg [dreg:$0x7]  }
0x11: {  	s1 =	rddreg [dreg:$0x8];
	s0 =	sadd.s32 $0x1, s0  }
0x12: {  	p0 =	sne.s32 s0, s1  }
.Ltmp1:
0x13: {  	_ = 	snop;
	(pc) =	sbr.rel @!p0 .LBB2_12-.Ltmp1, $1  }
0x14: {  	_ =	sdelay $0x3  }
.LBB2_1:
.Ltmp2:
0x15: {  	(pc) =	sbr.rel .LBB2_2-.Ltmp2, $2  }
0x16: {  	_ =	sdelay $0x2  }
0x17: {  	[dreg:$0x7] =	wrdreg s0;
	s25 =	simm.s32 $0x0  }
.LBB2_10:
0x18: {  	s25 =	sadd.s32 $0x1, s25  }
0x19: {  	p0 =	sne.s32 s25, $0x8  }
.Ltmp3:
0x1a: {  	[bflag:$0x0] =	sbarrier.arrive $0xFFFF;
	s0 =	sadd.s32 s9, s26;
	(pc) =	sbr.rel @!p0 .LBB2_11-.Ltmp3, $4  }
0x1b: {  	[hbm:s0], [sflag:s13] =	dma.local [spmem:s14], $0x2000  }
0x1c: {  	_ =	swait.ge [sflag:s15], $0x2000  }
0x1d: {  	[sflag:s15] =	ssyncset.done $0x0  }
0x1e: {  	[sflag:s15] =	ssyncadd.s32 $0xFFFFE000  }
.LBB2_2:
0x1f: {  	s1 =	sshll.u32 s25, $0xE  }
0x20: {  	s1 =	sadd.s32 s11, s1  }
0x21: {  	s6 =	sshll.u32 s1, $0x3  }
0x22: {  	s0 =	rddreg [dreg:$0x0];
	s26 =	sor.u32 s10, s6  }
0x23: {  	s6 =	sadd.s32 s0, s26  }
0x24: {  	[spmem:s14], [sflag:s13] =	dma.local [hbm:s6], $0x2000  }
.Ltmp4:
0x25: {  	_ =	swait.ge [sflag:s15], $0x2000;
	(pc) =	sbr.rel .LBB2_3-.Ltmp4, $4  }
0x26: {  	[sflag:s15] =	ssyncset.done $0x0  }
0x27: {  	[sflag:s15] =	ssyncadd.s32 $0xFFFFE000  }
0x28: {  	[bflag:$0x0] =	sbarrier.arrive $0xFFFF  }
0x29: {  	s29 =	simm.s32 $0x0;
	v12 =	vmov s1  }
.LBB2_9:
0x2a: {  	s29 =	sadd.s32 $0x1, s29  }
0x2b: {  	p0 =	sne.s32 s29, $0x20  }
.Ltmp5:
0x2c: {  	_ = 	snop;
	(pc) =	sbr.rel @!p0 .LBB2_10-.Ltmp5, $1  }
0x2d: {  	_ =	sdelay $0x3  }
.LBB2_3:
0x2e: {  	s1 =	sshll.u32 s29, $0x8  }
0x2f: {  	s1 =	sadd.s32 s10, s1  }
0x30: {  	s6 =	sadd.s32 s3, s1  }
0x31: {  	[tilespmem:s16], [sflag:$0x1] =	stream.linear.gather [hbm4b:s6+s28], $0x800, $0x38;
	[tilespmem:$0x152E0] =	vst v63  }
0x32: {  	_ =	swait.ge [sflag:s15], $0x800  }
0x33: {  	[sflag:s15] =	ssyncset.done $0x0  }
0x34: {  	s12 =	sadd.s32 s2, s1;
	[sflag:s15] =	ssyncadd.s32 $0xFFFFF800  }
0x35: {  	[tilespmem:s28], [sflag:$0x1] =	stream.linear.gather [hbm4b:s12+s28], $0x800, $0x38;
	[tilespmem:$0x152E0] =	vst v63  }
0x36: {  	_ =	swait.ge [sflag:s15], $0x800  }
0x37: {  	[sflag:s15] =	ssyncset.done $0x0  }
0x38: {  	s1 =	sadd.s32 s4, s1;
	[sflag:s15] =	ssyncadd.s32 $0xFFFFF800  }
0x39: {  	[tilespmem:s17], [sflag:$0x1] =	stream.linear.gather [hbm4b:s1+s28], $0x800, $0x38;
	[tilespmem:$0x152E0] =	vst v63  }
0x3a: {  	_ =	swait.ge [sflag:s15], $0x800  }
0x3b: {  	[sflag:s15] =	ssyncset.done $0x0  }
0x3c: {  	s31 =	simm.s32 $0x0;
	[sflag:s15] =	ssyncadd.s32 $0xFFFFF800  }
0x3d: {  	v13 =	vld [tilespmem:s31+$0x800];
	_ =	sdelay $0x4  }
0x3e: {  	v13 =	vsub.s32 v13, v12  }
0x3f: {  	vm0 =	vlt.u32 v13, $0x4000  }
0x40: {  	v14 =	vsel vm0, $0x1, v1  }
0x41: {  	(xrf0) =	vadd.scan.msk.s32 $0xffff, v14;
	_ =	sdelay $0x5  }
0x42: {  	v14 =	vimm.s32 $0x0;
	v15, _, _ =	vpop (xrf0)  }
0x43: {  	v15 =	vadd.s32 v15, v14  }
0x44: {  	v15 =	vadd.s32 $0xFFFFFFFF, v15  }
0x45: {  	v15 =	vsel vm0, v15, v2;
	_ =	sdelay $0x4  }
0x46: {  	[tilespmem:v15+s18+$0x0] =	vst.idx.msk $0xffff, v13  }
0x47: {  	v16 =	vld [tilespmem:s31+$0x0];
	_ =	sdelay $0x2  }
0x48: {  	v13 =	vmpcnt.ones.xlane vm0;
	_ =	sdelay $0x1  }
0x49: {  	v13 =	vadd.s32 v14, v13;
	[tilespmem:v15+s19+$0x0] =	vst.idx.msk $0xffff, v16  }
0x4a: {  	s30 =	simm.s32 $0x80;
	s1 =	simm.s32 $0x40;
	v14 =	vmov v13;
	v16 =	vld [tilespmem:s31+$0x1000]  }
.LBB2_4:
0x4b: {  	_ =	sdelay $0x2  }
0x4c: {  	p0 =	sne.s32 s30, $0x1FC0  }
0x4d: {  	s6 =	sshra.s32 s1, $0x2;
	s1 =	smov.u32 s30;
	s30 =	sadd.s32 $0x40, s30;
	[tilespmem:v15+s20+$0x0] =	vst.idx.msk $0xffff, v16  }
0x4e: {  	v15 =	vld [tilespmem:s6+$0x800];
	_ =	sdelay $0x4  }
0x4f: {  	v16 =	vsub.s32 v15, v12  }
0x50: {  	vm0 =	vlt.u32 v16, $0x4000  }
0x51: {  	v15 =	vsel vm0, $0x1, v1;
	v17 =	vmpcnt.ones.xlane vm0  }
0x52: {  	(xrf0) =	vadd.scan.msk.s32 $0xffff, v15  }
0x53: {  	v13 =	vadd.s32 v13, v17;
	_ =	sdelay $0x4  }
0x54: {  	v15, _, _ =	vpop (xrf0)  }
0x55: {  	v15 =	vadd.s32 v15, v14;
	v14 =	vmov v13  }
0x56: {  	v15 =	vadd.s32 $0xFFFFFFFF, v15  }
0x57: {  	v15 =	vsel vm0, v15, v2;
	_ =	sdelay $0x4  }
0x58: {  	[tilespmem:v15+s18+$0x0] =	vst.idx.msk $0xffff, v16  }
0x59: {  	v16 =	vld [tilespmem:s6+$0x0];
	_ =	sdelay $0x1  }
.Ltmp6:
0x5a: {  	(pc) =	sbr.rel @p0 .LBB2_4-.Ltmp6, $3  }
0x5b: {  	_ =	sdelay $0x1  }
0x5c: {  	[tilespmem:v15+s19+$0x0] =	vst.idx.msk $0xffff, v16  }
0x5d: {  	v16 =	vld [tilespmem:s6+$0x1000]  }
0x5e: {  	_ =	sdelay $0x3  }
0x5f: {  	s1 =	sshra.s32 s1, $0x2;
	[tilespmem:v15+s20+$0x0] =	vst.idx.msk $0xffff, v16  }
0x60: {  	v15 =	vld [tilespmem:s1+$0x800];
	_ =	sdelay $0x4  }
0x61: {  	v15 =	vsub.s32 v15, v12  }
0x62: {  	vm0 =	vlt.u32 v15, $0x4000  }
0x63: {  	v59 =	vsel vm0, $0x1, v1  }
0x64: {  	(xrf0) =	vadd.scan.msk.s32 $0xffff, v59;
	_ =	sdelay $0x5  }
0x65: {  	v16, _, _ =	vpop (xrf0)  }
0x66: {  	v14 =	vadd.s32 v16, v14  }
0x67: {  	v14 =	vadd.s32 $0xFFFFFFFF, v14  }
0x68: {  	v14 =	vsel vm0, v14, v2;
	_ =	sdelay $0x4  }
0x69: {  	[tilespmem:v14+s18+$0x0] =	vst.idx.msk $0xffff, v15  }
0x6a: {  	v15 =	vld [tilespmem:s1+$0x0]  }
0x6b: {  	v60 =	vmpcnt.ones.xlane vm0;
	_ =	sdelay $0x1  }
0x6c: {  	v13 =	vadd.s32 v13, v60  }
0x6d: {  	v16 =	vxor.u32 $0x80000000, v13  }
0x6e: {  	(xrf0) =	vmax.scan.msk.u32 $0xffff, v16;
	[tilespmem:v14+s19+$0x0] =	vst.idx.msk $0xffff, v15  }
0x6f: {  	v15 =	vld [tilespmem:s1+$0x1000];
	_ =	sdelay $0x2  }
0x70: {  	v61 =	vadd.s32 v0, v13;
	_ =	sdelay $0x1  }
0x71: {  	[tilespmem:v14+s20+$0x0] =	vst.idx.msk $0xffff, v15;
	v14, _, _ =	vpop (xrf0)  }
0x72: {  	v17 =	vadd.s32 v4, v13;
	(v2sf) =	vpush v14, $0xF;
	_ =	sdelay $0x1  }
0x73: {  	[tilespmem:v61+s18+$0x0] =	vst.idx.msk $0xffff, v1  }
0x74: {  	v15 =	vadd.s32 v5, v13;
	[tilespmem:v61+s19+$0x0] =	vst.idx.msk $0xffff, v1  }
0x75: {  	[tilespmem:v61+s20+$0x0] =	vst.idx.msk $0xffff, v3  }
0x76: {  	[tilespmem:v17+s18+$0x0] =	vst.idx.msk $0xffff, v1  }
0x77: {  	v14 =	vadd.s32 v6, v13;
	[tilespmem:v17+s19+$0x0] =	vst.idx.msk $0xffff, v1  }
0x78: {  	[tilespmem:v17+s20+$0x0] =	vst.idx.msk $0xffff, v3  }
0x79: {  	[tilespmem:v15+s18+$0x0] =	vst.idx.msk $0xffff, v1  }
0x7a: {  	v62 =	vadd.s32 v7, v13;
	[tilespmem:v15+s19+$0x0] =	vst.idx.msk $0xffff, v1  }
0x7b: {  	[tilespmem:v15+s20+$0x0] =	vst.idx.msk $0xffff, v3  }
0x7c: {  	[tilespmem:v14+s18+$0x0] =	vst.idx.msk $0xffff, v1  }
0x7d: {  	v15 =	vadd.s32 v8, v13;
	[tilespmem:v14+s19+$0x0] =	vst.idx.msk $0xffff, v1  }
0x7e: {  	[tilespmem:v14+s20+$0x0] =	vst.idx.msk $0xffff, v3  }
0x7f: {  	[tilespmem:v62+s18+$0x0] =	vst.idx.msk $0xffff, v1  }
0x80: {  	v14 =	vadd.s32 v9, v13;
	[tilespmem:v62+s19+$0x0] =	vst.idx.msk $0xffff, v1;
	s7 =	spop (v2sf)  }
0x81: {  	[tilespmem:v62+s20+$0x0] =	vst.idx.msk $0xffff, v3;
	s1 =	sadd.s32 $0x8000007F, s7  }
0x82: {  	[tilespmem:v15+s18+$0x0] =	vst.idx.msk $0xffff, v1;
	s6 =	sand.u32 $0x7F, s1  }
0x83: {  	v63 =	vadd.s32 v10, v13;
	[tilespmem:v15+s19+$0x0] =	vst.idx.msk $0xffff, v1;
	s7 =	sshra.s32 s1, $0x1F;
	p0 =	slt.s32 s1, $0x1;
	p1 =	sne.s32 s6, $0x0  }
0x84: {  	[tilespmem:v15+s20+$0x0] =	vst.idx.msk $0xffff, v3;
	s12 =	sshrl.u32 s7, $0x19;
	p0 =	por !p0, !p1  }
0x85: {  	[tilespmem:v14+s18+$0x0] =	vst.idx.msk $0xffff, v1;
	s6 =	simm.s32 $0x1;
	s1 =	sadd.s32 s12, s1;
	p0 =	por !p0, !p0  }
0x86: {  	v13 =	vadd.s32 v11, v13;
	[tilespmem:v14+s19+$0x0] =	vst.idx.msk $0xffff, v1;
	s1 =	sshra.s32 s1, $0x7;
	s6 =	simm.s32 @!p0 $0x0  }
0x87: {  	[tilespmem:v14+s20+$0x0] =	vst.idx.msk $0xffff, v3;
	s30 =	ssub.s32 s1, s6  }
0x88: {  	[tilespmem:v63+s18+$0x0] =	vst.idx.msk $0xffff, v1;
	p0 =	slt.s32 s30, $0x1  }
.Ltmp7:
0x89: {  	[tilespmem:v63+s19+$0x0] =	vst.idx.msk $0xffff, v1;
	(pc) =	sbr.rel @p0 .LBB2_9-.Ltmp7, $4  }
0x8a: {  	[tilespmem:v63+s20+$0x0] =	vst.idx.msk $0xffff, v3  }
0x8b: {  	[tilespmem:v13+s18+$0x0] =	vst.idx.msk $0xffff, v1  }
0x8c: {  	[tilespmem:v13+s19+$0x0] =	vst.idx.msk $0xffff, v1  }
0x8d: {  	s31 =	simm.s32 $0x0;
	s1 =	simm.s32 $0x0;
	[tilespmem:v13+s20+$0x0] =	vst.idx.msk $0xffff, v3  }
.LBB2_6:
0x8e: {  	s6 =	sshll.u32 s1, $0x7  }
0x8f: {  	v13 =	vld [tilespmem:s6+$0x1800];
	_ =	sdelay $0x4  }
0x90: {  	[tilespmem:$0x31E0] =	vst v13  }
0x91: {  	v13 =	vld [tilespmem:s6+$0x20A0];
	_ =	sdelay $0x4  }
0x92: {  	[tilespmem:$0x3260] =	vst v13  }
0x93: {  	v13 =	vld [tilespmem:s6+$0x1810];
	_ =	sdelay $0x4  }
0x94: {  	[tilespmem:$0x31F0] =	vst v13  }
0x95: {  	v13 =	vld [tilespmem:s6+$0x20B0];
	_ =	sdelay $0x4  }
0x96: {  	[tilespmem:$0x3270] =	vst v13  }
0x97: {  	v13 =	vld [tilespmem:s6+$0x1820];
	_ =	sdelay $0x4  }
0x98: {  	[tilespmem:$0x3200] =	vst v13  }
0x99: {  	v13 =	vld [tilespmem:s6+$0x20C0];
	_ =	sdelay $0x4  }
0x9a: {  	[tilespmem:$0x3280] =	vst v13  }
0x9b: {  	v13 =	vld [tilespmem:s6+$0x1830];
	_ =	sdelay $0x4  }
0x9c: {  	[tilespmem:$0x3210] =	vst v13  }
0x9d: {  	v13 =	vld [tilespmem:s6+$0x20D0];
	_ =	sdelay $0x4  }
0x9e: {  	[tilespmem:$0x3290] =	vst v13  }
0x9f: {  	v13 =	vld [tilespmem:s6+$0x1840];
	_ =	sdelay $0x4  }
0xa0: {  	[tilespmem:$0x3220] =	vst v13  }
0xa1: {  	v13 =	vld [tilespmem:s6+$0x20E0];
	_ =	sdelay $0x4  }
0xa2: {  	[tilespmem:$0x32A0] =	vst v13  }
0xa3: {  	v13 =	vld [tilespmem:s6+$0x1850];
	_ =	sdelay $0x4  }
0xa4: {  	[tilespmem:$0x3230] =	vst v13  }
0xa5: {  	v13 =	vld [tilespmem:s6+$0x20F0];
	_ =	sdelay $0x4  }
0xa6: {  	[tilespmem:$0x32B0] =	vst v13  }
0xa7: {  	v13 =	vld [tilespmem:s6+$0x1860];
	_ =	sdelay $0x4  }
0xa8: {  	[tilespmem:$0x3240] =	vst v13  }
0xa9: {  	v13 =	vld [tilespmem:s6+$0x2100];
	_ =	sdelay $0x4  }
0xaa: {  	[tilespmem:$0x32C0] =	vst v13  }
0xab: {  	v13 =	vld [tilespmem:s6+$0x1870];
	_ =	sdelay $0x4  }
0xac: {  	[tilespmem:$0x3250] =	vst v13  }
0xad: {  	v13 =	vld [tilespmem:s6+$0x2110];
	_ =	sdelay $0x4  }
0xae: {  	s12 =	sadd.s32 $0x0, s31;
	[tilespmem:$0x32D0] =	vst v13  }
0xaf: {  	[tilespmem:s23], [sflag:$0x1] =	stream.indirect.gather [hbm4b:s8+s21], $0x40, s22, s21, $0xb8;
	[tilespmem:$0x152E0] =	vst v63  }
0xb0: {  	v13 =	vmov s12;
	_ =	swait.ge [sflag:s15], $0x2000  }
0xb1: {  	[sflag:s15] =	ssyncset.done $0x0  }
0xb2: {  	s7 =	simm.s32 $0x3300;
	[sflag:s15] =	ssyncadd.s32 $0xFFFFE000  }
0xb3: {  	v15 =	vld [tilespmem:s7+$0xFFFFFFF0]  }
0xb4: {  	v16 =	vld [tilespmem:s7+$0x10]  }
0xb5: {  	v18 =	vld.idx.msk [tilespmem:v13+s20+$0x0], $0xffff  }
0xb6: {  	v13 =	vld [tilespmem:s7+$0xFFFFFFE0]  }
0xb7: {  	v19 =	vld [tilespmem:s7+$0x0];
	_ =	sdelay $0x3  }
0xb8: {  	s0 =	sadd.s32 $0x1, s31;
	v14 =	vmul.f32 v13, v18;
	v17 =	vmul.f32 v16, v18  }
0xb9: {  	s6 =	simm.s32 $0x3300;
	s12 =	simm.s32 $0x2;
	v13 =	vmov s0;
	v16 =	vmul.f32 v15, v18;
	v15 =	vmul.f32 v19, v18  }
.LBB2_7:
0xba: {  	p0 =	sne.s32 s12, $0x7F  }
0xbb: {  	[tilespmem:s7+$0x10] =	vst v17;
	s6 =	sadd.s32 $0x40, s6;
	s0 =	smov.u32 s12;
	s12 =	sadd.s32 $0x1, s12  }
0xbc: {  	[tilespmem:s7+$0xFFFFFFE0] =	vst v14  }
0xbd: {  	v18 =	vld [tilespmem:s6+$0xFFFFFFF0];
	[tilespmem:s7+$0xFFFFFFF0] =	vst v16  }
0xbe: {  	v16 =	vld [tilespmem:s6+$0x10];
	[tilespmem:s7+$0x0] =	vst v15;
	s7 =	smov.u32 s6  }
0xbf: {  	v15 =	vld.idx.msk [tilespmem:v13+s20+$0x0], $0xffff  }
0xc0: {  	v13 =	vld [tilespmem:s6+$0xFFFFFFE0]  }
0xc1: {  	v19 =	vld [tilespmem:s6+$0x0]  }
.Ltmp8:
0xc2: {  	(pc) =	sbr.rel @p0 .LBB2_7-.Ltmp8, $3  }
0xc3: {  	_ =	sdelay $0x1  }
0xc4: {  	s0 =	sadd.s32 s0, s31;
	v17 =	vmul.f32 v16, v15;
	v14 =	vmul.f32 v13, v15  }
0xc5: {  	v16 =	vmul.f32 v18, v15;
	v13 =	vmov s0;
	v15 =	vmul.f32 v19, v15  }
0xc6: {  	[tilespmem:s7+$0x10] =	vst v17  }
0xc7: {  	s0 =	sadd.s32 $0x40, s6;
	[tilespmem:s7+$0xFFFFFFE0] =	vst v14  }
0xc8: {  	v14 =	vld [tilespmem:s0+$0xFFFFFFF0];
	[tilespmem:s7+$0xFFFFFFF0] =	vst v16  }
0xc9: {  	v16 =	vld [tilespmem:s0+$0x10];
	[tilespmem:s7+$0x0] =	vst v15  }
0xca: {  	v13 =	vld.idx.msk [tilespmem:v13+s20+$0x0], $0xffff  }
0xcb: {  	v15 =	vld [tilespmem:s0+$0xFFFFFFE0];
	_ =	sdelay $0x1  }
0xcc: {  	v17 =	vld [tilespmem:s0+$0x0];
	_ =	sdelay $0x1  }
0xcd: {  	v16 =	vmul.f32 v16, v13  }
0xce: {  	v15 =	vmul.f32 v15, v13  }
0xcf: {  	v14 =	vmul.f32 v14, v13;
	[tilespmem:s0+$0x10] =	vst v16  }
0xd0: {  	v13 =	vmul.f32 v17, v13;
	[tilespmem:s0+$0xFFFFFFE0] =	vst v15  }
0xd1: {  	s1 =	sadd.s32 $0x1, s1;
	[tilespmem:s0+$0xFFFFFFF0] =	vst v14  }
0xd2: {  	p0 =	sne.s32 s1, s30;
	[tilespmem:s0+$0x0] =	vst v13  }
0xd3: {  	[spmem:s5] =	stream.indirect.scatter.add.f32 [tilespmem:s23], [sflag:$0x1], $0x40, s24, s21, $0xb8;
	[tilespmem:$0x152E0] =	vst v63  }
.Ltmp9:
0xd4: {  	_ = 	snop;
	(pc) =	sbr.rel @p0 .LBB2_6-.Ltmp9, $4  }
.Ltmp10:
0xd5: {  	_ = 	snop;
	(pc) =	sbr.rel @!p0 .LBB2_9-.Ltmp10, $4  }
0xd6: {  	_ =	swait.ge [sflag:s15], $0x2000  }
0xd7: {  	[sflag:s15] =	ssyncset.done $0x0  }
0xd8: {  	s31 =	sadd.s32 $0x80, s31;
	[sflag:s15] =	ssyncadd.s32 $0xFFFFE000  }
0xd9: {  	_ = 	snop  }
.LBB2_12:
0xda: {  	_ =	sfence.sel $0x180000  }
0xdb: {  	[bflag:$0x0] =	sbarrier.arrive $0xFFFF  }
0xdc: {  	_ =	strace $0x90000047  }
0xdd: {  	s0 =	stileid.u32;
	[bflag:$0x2] =	sbarrier.arrive $0xFFFF  }
0xde: {  	p0 =	sne.s32 s0, $0x0;
	s0 =	rddreg [dreg:$0x6]  }
0xdf: {  	s0 =	sadd.s32 @!p0 $0x100000, s0  }
0xe0: {  	[sflag:s0] =	ssyncadd.tile.s32 @!p0 $0x1;
	_ =	shalt  }
.Lfunc_end2:
_tile_overlayer_lowered:
.L_overlay_start_2:
0xe1: {  	(tag) =	ssettag $0x2  }
0xe2: {  	s0 =	rddreg [dreg:$0x0];
	s2 =	stileid.u32  }
0xe3: {  	s1 =	rddreg [dreg:$0x1];
	p0 =	sne.s32 s2, $0x0  }
0xe4: {  	s3 =	rddreg [dreg:$0x2];
	[bflag:$0x3] =	sbarrier.arrive $0xFFFF;
	s2 =	simm.s32 @!p0 $0x1C01  }
0xe5: {  	[timem:s3], [sflag:s2] =	dma.local @!p0 [hbm:s0], s1  }
0xe6: {  	s0 =	simm.s32 @!p0 $0x1  }
0xe7: {  	_ =	swait.ge @!p0 [sflag:s0], s1  }
0xe8: {  	s1 =	ssub.s32 @!p0 $0x0, s1;
	[sflag:s0] =	ssyncset.done @!p0 $0x0  }
0xe9: {  	[sflag:s0] =	ssyncadd.s32 @!p0 s1  }
0xea: {  	[bflag:$0x3] =	sbarrier.arrive $0xFFFF  }
0xeb: {  	_ =	shalt  }

// kernel: sparse-core-data-format-call.cloned.1.call-start
scs
called_computation_lowered:
.L_overlay_start_0:
0x0: {  	s2 =	sld [smem:$0x3FD9]  }
0x1: {  	s3 =	sld [smem:$0x3FFE];
	_ =	sdelay $0x1  }
0x2: {  	s1 =	srdreg.scid  }
0x3: {  	s0 =	sand.u32 $0x1, s1  }
0x4: {  	s18 =	sshll.u32 s0, $0xA;
	s2 =	sadd.s32 s3, s2  }
0x5: {  	s2 =	sadd.s32 s2, s18  }
0x6: {  	[smem:$0x3FC3] =	sst s2  }
0x7: {  	_ = 	snop  }
0x8: {  	s2 =	sld [smem:$0x3FD0];
	(tm) =	ssettm $0x1  }
0x9: {  	s19 =	sld [smem:$0x3FFB];
	_ =	sdelay $0x3  }
0xa: {  	_ =	strace s19  }
0xb: {  	s3 =	sld [smem:$0x3FFC];
	_ =	sdelay $0x3  }
0xc: {  	_ =	strace s3  }
0xd: {  	s3 =	sld [smem:$0x3FFD];
	_ =	sdelay $0x3  }
0xe: {  	_ =	strace s3  }
0xf: {  	_ =	strace $0x8FFFFFFF  }
0x10: {  	s20 =	sld [smem:$0x3FDB];
	_ =	sdelay $0x1  }
0x11: {  	s4 =	simm.s32 $_scs_section_size  }
0x12: {  	s5 =	simm.s32 $_size__tile_overlayer_lowered;
	s6 =	simm.s32 $_tile_overlayer_lowered  }
0x13: {  	s23 =	simm.s32 $0x1BFF;
	s22 =	sshll.u32 s6, $0x1;
	s3 =	sadd.s32 s4, s20  }
0x14: {  	s7 =	simm.s32 $0x0;
	s21 =	sshll.u32 s5, $0x1;
	s5 =	sadd.s32 s22, s3  }
0x15: {  	[timem:s7], [sflag:s23] =	dma.local [hbm:s5], s21  }
0x16: {  	_ =	swait.ge [sflag:s23], s21  }
0x17: {  	s4 =	ssub.s32 $0x0, s21;
	[sflag:s23] =	ssyncset.done $0x0  }
0x18: {  	[sflag:s23] =	ssyncadd.s32 s4;
	_ =	sdelay $0x1  }
0x19: {  	s24 =	simm.s32 $0x1B8B  }
0x1a: {  	_ =	swait.ge [sflag:s24], $0x1  }
0x1b: {  	[sflag:s24] =	ssyncset.done $0x0  }
0x1c: {  	s26 =	simm.s32 $0x1B8E;
	s25 =	sld [smem:$0x3FFE];
	[sflag:s24] =	ssyncadd.s32 $0xFFFFFFFF  }
0x1d: {  	s27 =	simm.s32 $execute0_lowered;
	[smem:$0x3FD2] =	sst s26  }
0x1e: {  	s5 =	sshll.u32 s27, $0x1;
	_ =	strace $0x80000049;
	[dreg:$0x1] =	wrdreg $0xFFFFFFFF  }
0x1f: {  	s28 =	simm.s32 $_size_execute0_lowered;
	s3 =	sadd.s32 s3, s5;
	[dreg:$0x0] =	wrdreg $0x0  }
0x20: {  	s5 =	sshll.u32 s28, $0x1;
	[dreg:$0x2] =	wrdreg s3  }
0x21: {  	[dreg:$0x3] =	wrdreg s5  }
0x22: {  	[dreg:$0x4] =	wrdreg $0xC0  }
0x23: {  	_ =	task [dreg:s7], $0x5FFFF  }
0x24: {  	[dreg:$0x1] =	wrdreg $0xFFFFFFFF  }
0x25: {  	[dreg:$0x0] =	wrdreg $0x60  }
0x26: {  	[dreg:$0x2] =	wrdreg s25  }
0x27: {  	[dreg:$0x3] =	wrdreg s2  }
0x28: {  	[dreg:$0x4] =	wrdreg $0x9  }
0x29: {  	_ =	task.clear_ibuf [dreg:s7], $0x5FFFF;
	_ =	strace $0x90000049  }
0x2a: {  	s29 =	simm.s32 $0x9;
	_ =	strace $0x8000004B  }
0x2b: {  	_ =	swait.ge [sflag:s29], $0x1  }
0x2c: {  	[sflag:s29] =	ssyncadd.s32 $0xFFFFFFFF  }
0x2d: {  	_ =	strace $0x9000004B  }
0x2e: {  	_ =	sfence  }
0x2f: {  	s30 =	sld [smem:$0x0];
	_ =	sdelay $0x2  }
0x30: {  	s31 =	sshll.u32 s1, $0xD;
	s1 =	sshrl.u32 s1, $0x2  }
0x31: {  	s3 =	sand.u32 $0x4000, s31;
	s1 =	sadd.s32 s1, s30  }
0x32: {  	s0 =	sor.u32 s3, s0;
	s1 =	sshll.u32 s1, $0x11  }
0x33: {  	s0 =	sor.u32 s1, s0  }
0x34: {  	s0 =	sadd.s32 $0x8F2B, s0  }
0x35: {  	[sflag:s0] =	ssyncadd.remote.s32 $0x1  }
0x36: {  	_ =	sfence.sel $0xFFFF  }
0x37: {  	[dreg:$0x0] =	wrdreg $0xFFFFFFFF;
	(pc) =	sbr.abs _section_cstart, $3  }
0x38: {  	[dreg:$0x1] =	wrdreg $0xFFFFFFFF  }
0x39: {  	_ =	task.clear_ibuf [dreg:s7], $0x2FFFF;
	_ =	strace $0x9FFFFFFF  }
0x3a: {  	(tm) =	ssettm $0x7FFFFFFF  }
0x3b: {  	_ =	shalt  }
tec
execute0_lowered:
.L_overlay_start_1:
0x0: {  	(tag) =	ssettag $0x1  }
0x1: {  	s0 =	srdreg.scid  }
0x2: {  	s1 =	sshll.u32 s0, $0x4  }
0x3: {  	s4 =	rddreg [dreg:$0x0];
	s0 =	stileid.u32;
	s1 =	sand.u32 $0x10, s1  }
0x4: {  	s2 =	rddreg [dreg:$0x1];
	s7 =	simm.s32 $0x1;
	s1 =	sor.u32 s0, s1  }
0x5: {  	s8 =	simm.s32 $0x2;
	s11 =	simm.s32 $0x0;
	s3 =	sshll.u32 s1, $0x7  }
0x6: {  	s10 =	simm.s32 $0x0;
	s4 =	sadd.s32 $0x200800, s4;
	s6 =	ssub.s32 $0x40000, s3  }
.Ltmp0:
0x7: {  	s1 =	rddreg [dreg:$0x2];
	s5 =	sand.u32 $0xF80, s6;
	(pc) =	sbr.rel .LBB1_1-.Ltmp0, $4  }
0x8: {  	_ =	strace $0x8000004A;
	s9 =	smov.u32 s3;
	p0 =	sne.s32 s5, $0x0  }
0x9: {  	s6 =	sshrl.u32 s6, $0xC;
	s5 =	simm.s32 $0x1;
	s7 =	simm.s32 @!p0 $0x0  }
0xa: {  	[sflag:s5] =	ssyncpa.u1 $0x0;
	p0 =	por $0x0, $0x0;
	s6 =	sadd.s32 s7, s6  }
0xb: {  	[sflag:s8] =	ssyncpa.u1 $0x0;
	s8 =	simm.s32 $0x200000;
	s7 =	sadd.s32 $0x1, s6  }
.LBB1_4:
0xc: {  	s14 =	sshll.u32 s11, $0x3  }
0xd: {  	s15 =	sand.u32 $0x78, s11;
	s14 =	sand.u32 $0x3FC00, s14  }
0xe: {  	[tilespmem:s13+$0x810 ss:$0x81] =	vst.msk $0xffff, v2;
	s29 =	sand.u32 $0x1F8000, s11;
	s30 =	sand.u32 $0x7, s11;
	s14 =	sor.u32 s15, s14  }
0xf: {  	[tilespmem:s13+$0x1020 ss:$0x81] =	vst.msk $0xffff, v0;
	s11 =	sshll.u32 s30, $0x12;
	s15 =	sadd.s32 s2, s29;
	s14 =	sshrl.u32 s14, $0x3  }
0x10: {  	[tilespmem:s13+$0x0 ss:$0x81] =	vst.msk $0xffff, v1;
	s11 =	sor.u32 $0x400, s11;
	s31 =	sadd.s32 s14, s15  }
0x11: {  	[hbm4b:s31+s11] =	stream.strided.scatter [tilespmem:s12], [sflag:$0x2], $0x2000, s8, s11, $0x20;
	[tilespmem:$0x8080] =	vst v63  }
.LBB1_5:
0x12: {  	s13 =	sadd.s32 $0x1000, s9  }
0x13: {  	p2 =	sgt.s32 s13, $0x3FFFF  }
0x14: {  	s13 =	smov.u32 @p2 s3;
	p2 =	sne.s32 s10, s7  }
.Ltmp1:
0x15: {  	p1 =	slt.u32 s10, $0x2;
	(pc) =	sbr.rel @!p2 .LBB1_6-.Ltmp1, $4  }
0x16: {  	s12 =	simm.s32 @!p1 $0x2  }
0x17: {  	s14 =	sadd.s32 $0x1, s10;
	_ =	swait.ge @!p1 [sflag:s12], $0x2000  }
0x18: {  	s11 =	smov.u32 s9;
	p0 =	por !p0, !p0;
	[sflag:s12] =	ssyncset.done @!p1 $0x0  }
0x19: {  	s10 =	smov.u32 s14;
	s9 =	smov.u32 s13;
	[sflag:s12] =	ssyncadd.s32 @!p1 $0xFFFFE000  }
.LBB1_1:
0x1a: {  	p1 =	sge.u32 s10, s6  }
0x1b: {  	s31 =	sadd.s32 $0xFFFFFFFF, s10;
	s12 =	sxor.u32 @!p1 $0xFFFFFFFF, s10;
	s13 =	sshll.u32 @!p1 s9, $0x4  }
0x1c: {  	s14 =	simm.s32 @!p1 $0x40;
	s12 =	sshll.u32 @!p1 s12, $0xD;
	s13 =	sand.u32 @!p1 $0x3FFFF0, s13  }
0x1d: {  	s15 =	simm.s32 @!p1 $0x80;
	s12 =	sand.u32 @!p1 $0x2000, s12;
	s13 =	sadd.s32 @!p1 s4, s13  }
0x1e: {  	[tilespmem:s12], [sflag:$0x1] =	stream.strided.gather @!p1 [hbm4b:s13+s14], $0x2000, s15, s14, $0x38;
	[tilespmem:$0x8080] =	vst v63  }
0x1f: {  	p1 =	sge.u32 s31, s6  }
.Ltmp2:
0x20: {  	_ = 	snop;
	(pc) =	sbr.rel @p1 .LBB1_5-.Ltmp2, $1  }
0x21: {  	_ =	sdelay $0x3  }
0x22: {  	s12 =	simm.s32 $0x1  }
0x23: {  	_ =	swait.ge [sflag:s5], $0x2000;
	s12 =	simm.s32 @!p0 $0x0  }
0x24: {  	[sflag:s5] =	ssyncset.done $0x0;
	s13 =	sshll.u32 s12, $0xD  }
0x25: {  	[sflag:s5] =	ssyncadd.s32 $0xFFFFE000;
	s16 =	sor.u32 $0x20, s13  }
0x26: {  	s12 =	smul.u32 $0x8100, s12;
	v3 =	vld [tilespmem:s16+$0x10]  }
0x27: {  	s30 =	sand.u32 $0x1, s10;
	v2 =	vld [tilespmem:s16+$0xFFFFFFF0]  }
0x28: {  	s13 =	smul.u32 $0x8100, s30;
	s12 =	sshrl.u32 s12, $0x2;
	v0 =	vld [tilespmem:s16+$0x0]  }
0x29: {  	v1 =	vld [tilespmem:s16+$0xFFFFFFE0];
	s14 =	sor.u32 $0x4000, s12  }
0x2a: {  	s31 =	sshrl.u32 s13, $0x2;
	s13 =	sadd.s32 $0x0, s14  }
0x2b: {  	s15 =	simm.s32 $0x4;
	s16 =	sadd.s32 $0x40, s16;
	s12 =	sor.u32 $0x4000, s31;
	[tilespmem:s13+$0x1830 ss:$0x81] =	vst.msk $0xffff, v3  }
.LBB1_3:
0x2c: {  	v3 =	vld [tilespmem:s16+$0x10];
	p1 =	sne.s32 s15, $0x1FC;
	[tilespmem:s13+$0x810 ss:$0x81] =	vst.msk $0xffff, v2;
	s17 =	smov.u32 s15;
	s15 =	sadd.s32 $0x4, s15  }
.Ltmp3:
0x2d: {  	v2 =	vld [tilespmem:s16+$0xFFFFFFF0];
	[tilespmem:s13+$0x1020 ss:$0x81] =	vst.msk $0xffff, v0;
	(pc) =	sbr.rel @p1 .LBB1_3-.Ltmp3, $4  }
0x2e: {  	v0 =	vld [tilespmem:s16+$0x0];
	[tilespmem:s13+$0x0 ss:$0x81] =	vst.msk $0xffff, v1  }
0x2f: {  	s13 =	sshra.s32 s17, $0x2;
	v1 =	vld [tilespmem:s16+$0xFFFFFFE0]  }
0x30: {  	s13 =	sadd.s32 s13, s14  }
0x31: {  	s16 =	sadd.s32 $0x40, s16;
	[tilespmem:s13+$0x1830 ss:$0x81] =	vst.msk $0xffff, v3  }
.Ltmp4:
0x32: {  	_ = 	snop;
	(pc) =	sbr.rel .LBB1_4-.Ltmp4, $1  }
0x33: {  	_ =	sdelay $0x3  }
.LBB1_6:
0x34: {  	_ =	sfence.sel $0x180000  }
0x35: {  	s2 =	simm.s32 $0x1;
	[bflag:$0x0] =	sbarrier.arrive $0xFFFF  }
0x36: {  	s31 =	simm.s32 $0x2;
	[sflag:s2] =	ssyncpa.u1 $0x1  }
0x37: {  	[sflag:s31] =	ssyncpa.u1 $0x1  }
0x38: {  	p0 =	sne.s32 s0, $0x0;
	_ =	strace $0x9000004A  }
0x39: {  	s0 =	sadd.s32 @!p0 $0x100000, s1;
	[bflag:$0x2] =	sbarrier.arrive $0xFFFF  }
0x3a: {  	[sflag:s0] =	ssyncadd.tile.s32 @!p0 $0x1;
	_ =	shalt  }
.Lfunc_end1:
_tile_overlayer_lowered:
.L_overlay_start_2:
0x3b: {  	(tag) =	ssettag $0x2  }
0x3c: {  	s0 =	rddreg [dreg:$0x0];
	s2 =	stileid.u32  }
0x3d: {  	s1 =	rddreg [dreg:$0x1];
	p0 =	sne.s32 s2, $0x0  }
0x3e: {  	s3 =	rddreg [dreg:$0x2];
	[bflag:$0x3] =	sbarrier.arrive $0xFFFF;
	s2 =	simm.s32 @!p0 $0x1C01  }
0x3f: {  	[timem:s3], [sflag:s2] =	dma.local @!p0 [hbm:s0], s1  }
0x40: {  	s0 =	simm.s32 @!p0 $0x1  }
0x41: {  	_ =	swait.ge @!p0 [sflag:s0], s1  }
0x42: {  	s1 =	ssub.s32 @!p0 $0x0, s1;
	[sflag:s0] =	ssyncset.done @!p0 $0x0  }
0x43: {  	[sflag:s0] =	ssyncadd.s32 @!p0 s1  }
0x44: {  	[bflag:$0x3] =	sbarrier.arrive $0xFFFF  }
0x45: {  	_ =	shalt  }

</sc_bundles>
